<compile_context>
chip_gen: v7x
topology: tpu7x:2x2x1
jax: 0.10.2.dev20260603
libtpu: 0.0.44.dev20260713+nightly
codegen_flags: <defaults>
</compile_context>

<pallas_src>
import functools

import jax
import jax.numpy as jnp
from jax import lax
from jax.experimental import pallas as pl
from jax.experimental.pallas import tpu as pltpu
from jax.experimental.pallas import tpu_sc as plsc

_N_NODES = 10000
_N_EDGES = 320000
_NC = 1
_NS = 16
_NW = _NC * _NS
_L = 16

_NBLK = _N_EDGES // 128
_BSML = _NBLK // _NW
_BBIG = _BSML + 1
_NBIG = _NBLK % _NW
_WBIG = _BBIG * 128
_NCHUNK = 6


def _chunks(nblocks):
    q, r = divmod(nblocks, _NCHUNK)
    parts = [q + 1] * r + [q] * (_NCHUNK - r)
    offs, o = [], 0
    for p in parts:
        offs.append(o)
        o += p
    return list(zip(offs, parts))


def _rowsum_body(h_ref, o_ref):
    o_ref[...] = jnp.sum(h_ref[...], axis=1)


def _rowsum(h):
    return pl.pallas_call(
        _rowsum_body,
        out_shape=jax.ShapeDtypeStruct((_N_NODES,), jnp.float32),
    )(h)


_gather_mesh = plsc.VectorSubcoreMesh(
    core_axis_name="c", subcore_axis_name="s", num_cores=_NC)


@functools.partial(
    pl.kernel,
    out_type=jax.ShapeDtypeStruct((_N_EDGES,), jnp.float32),
    mesh=_gather_mesh,
    compiler_params=pltpu.CompilerParams(needs_layout_passes=False),
    scratch_types=[
        pltpu.VMEM((_N_NODES,), jnp.float32),
        pltpu.VMEM((2, _WBIG), jnp.int32),
        pltpu.VMEM((_WBIG,), jnp.float32),
        pltpu.SemaphoreType.DMA,
        pltpu.SemaphoreType.DMA,
        pltpu.SemaphoreType.DMA,
    ],
)
def _gather_kernel(s_hbm, edge_hbm, out_hbm, table_v, edges_v, out_v,
                   sem_t, sem_e, sem_o):
    wid = lax.axis_index("s") * _NC + lax.axis_index("c")
    base = 128 * jnp.minimum(wid * _BBIG, _NBLK - _BBIG)
    tbl_cp = pltpu.async_copy(s_hbm, table_v, sem_t)

    in_cps = []
    for off, nb in _chunks(_BBIG):
        in_cps.append(pltpu.async_copy(
            edge_hbm.at[:, pl.ds(base + off * 128, nb * 128)],
            edges_v.at[:, pl.ds(off * 128, nb * 128)], sem_e))
    tbl_cp.wait()
    out_cps = []
    for cp, (off, nb) in zip(in_cps, _chunks(_BBIG)):
        cp.wait()

        @plsc.parallel_loop(off * 8, (off + nb) * 8, unroll=8)
        def body(g):
            idxs = edges_v[0, pl.ds(g * _L, _L)]
            out_v[pl.ds(g * _L, _L)] = plsc.load_gather(table_v, [idxs])

        out_cps.append(pltpu.async_copy(
            out_v.at[pl.ds(off * 128, nb * 128)],
            out_hbm.at[pl.ds(base + off * 128, nb * 128)], sem_o))
    for cp in out_cps:
        cp.wait()


def kernel(h, W, b, edge_index):
    s = _rowsum(h)
    return _gather_kernel(s, edge_index.astype(jnp.int32))

# --- scband reference (transcript-rebuilt; emitter-appended) ---
"""Pipeline reference for scband-attention-predictor-33449205301963 (READ-ONLY COPY).

The authoritative reference and input builder live on the scoring server;
editing this copy changes nothing except your own understanding.
"""

import jax, jax.numpy as jnp
import numpy as np

IN_FEATS = 128
N_NODES = 10000
N_EDGES = 320000

def setup_inputs(seed: int = 0) -> dict:
    key = jax.random.key(seed)
    k1, k2, k3, k4 = jax.random.split(key, 4)
    h = jax.random.normal(k1, (N_NODES, IN_FEATS), dtype=jnp.float32)
    edge_index = jax.random.randint(k2, (2, N_EDGES), 0, N_NODES, dtype=jnp.int64)
    # gate_nn = nn.Linear(2*in_feats, 1): weight [1, 2*in_feats], bias [1]
    bound = 1.0 / np.sqrt(2 * IN_FEATS)
    W = jax.random.uniform(k3, (1, 2 * IN_FEATS), dtype=jnp.float32, minval=-bound, maxval=bound)
    b = jax.random.uniform(k4, (1,), dtype=jnp.float32, minval=-bound, maxval=bound)
    return {"h": h, "W": W, "b": b, "edge_index": edge_index}

def reference(h, W, b, edge_index):
    src = edge_index[0]
    dst = edge_index[1]
    h_src = jnp.take(h, src, axis=0)          # [E, d] gather
    h_dst = jnp.take(h, dst, axis=0)          # [E, d] gather
    cat = jnp.concatenate([h_src, h_dst], axis=1)  # [E, 2d]
    gate = cat @ W.T + b                       # [E, 1]
    gate = jax.nn.leaky_relu(gate, negative_slope=0.01)
    gate = jax.nn.softmax(gate, axis=1)        # softmax over size-1 dim (faithful)
    rst = jnp.sum(gate * h_src, axis=1)        # [E]
    return rst

if __name__ == "__main__":
    import jax
    _d = setup_inputs()
    print(jax.jit(kernel)(*tuple(_d.values())))

</pallas_src>

<mosaic_0001>
#map = affine_map<(d0, d1) -> (0)>
#map1 = affine_map<(d0, d1) -> (0, 0)>
module attributes {stable_mosaic.version = 14 : i64} {
  func.func @_gather_kernel(%arg0: i32, %arg1: i32, %arg2: memref<10000xf32, #tpu.memory_space<hbm>>, %arg3: memref<2x320000xi32, #tpu.memory_space<hbm>>, %arg4: memref<320000xf32, #tpu.memory_space<hbm>>, %arg5: memref<10000xf32, #tpu.memory_space<vmem>>, %arg6: memref<2x20096xi32, #tpu.memory_space<vmem>>, %arg7: memref<20096xf32, #tpu.memory_space<vmem>>, %arg8: memref<!tpu.dma_semaphore, #tpu.memory_space<semaphore_mem>>, %arg9: memref<!tpu.dma_semaphore, #tpu.memory_space<semaphore_mem>>, %arg10: memref<!tpu.dma_semaphore, #tpu.memory_space<semaphore_mem>>) attributes {dimension_semantics = [#tpu.dimension_semantics<core_parallel>, #tpu.dimension_semantics<subcore_parallel>], iteration_bounds = array<i64: 1, 16>, scalar_prefetch = 0 : i64, scratch_operands = 6 : i64, tpu.core_type = #tpu.core_type<sc_vector_subcore>, window_params = [{transform_indices = #map}, {transform_indices = #map1}, {transform_indices = #map}]} {
    %mul3A = arith.constant 1 : i32
    %mul3A_0 = arith.muli %arg1, %mul3A : i32
    %add3A = arith.addi %mul3A_0, %arg0 : i32
    %mul3A_1 = arith.constant 157 : i32
    %mul3A_2 = arith.muli %add3A, %mul3A_1 : i32
    %min3A = arith.constant 2343 : i32
    %min3A_3 = arith.minsi %mul3A_2, %min3A : i32
    %mul3A_4 = arith.constant 128 : i32
    %mul3A_5 = arith.muli %mul3A_4, %min3A_3 : i32
    tpu.enqueue_dma source(%arg2 : memref<10000xf32, #tpu.memory_space<hbm>>) target(%arg5 : memref<10000xf32, #tpu.memory_space<vmem>>) target_semaphore(%arg8 : memref<!tpu.dma_semaphore, #tpu.memory_space<semaphore_mem>>)
    %add3A_6 = arith.constant 0 : i32
    %add3A_7 = arith.addi %mul3A_5, %add3A_6 : i32
    %dma_start3A = arith.constant 0 : i32
    %dma_start3A_8 = arith.constant 0 : i32
    %dma_start3A_9 = tpu.memref_slice %arg6[%dma_start3A, %dma_start3A_8] : memref<2x20096xi32, #tpu.memory_space<vmem>> -> memref<2x3456xi32, #tpu.memory_space<vmem>>
    %dma_start3A_10 = arith.constant 0 : i32
    %dma_start3A_11 = tpu.memref_slice %arg3[%dma_start3A_10, %add3A_7] : memref<2x320000xi32, #tpu.memory_space<hbm>> -> memref<2x3456xi32, #tpu.memory_space<hbm>>
    %dma_start3A_12 = arith.constant 0 : i32
    %dma_start3A_13 = arith.constant 0 : i32
    %dma_start3A_14 = tpu.memref_slice %arg6[%dma_start3A_12, %dma_start3A_13] : memref<2x20096xi32, #tpu.memory_space<vmem>> -> memref<2x3456xi32, #tpu.memory_space<vmem>>
    %dma_start3A_15 = arith.constant 0 : i32
    %dma_start3A_16 = tpu.memref_slice %arg3[%dma_start3A_15, %add3A_7] : memref<2x320000xi32, #tpu.memory_space<hbm>> -> memref<2x3456xi32, #tpu.memory_space<hbm>>
    tpu.enqueue_dma source(%dma_start3A_16 : memref<2x3456xi32, #tpu.memory_space<hbm>>) target(%dma_start3A_14 : memref<2x3456xi32, #tpu.memory_space<vmem>>) target_semaphore(%arg9 : memref<!tpu.dma_semaphore, #tpu.memory_space<semaphore_mem>>)
    %add3A_17 = arith.constant 3456 : i32
    %add3A_18 = arith.addi %mul3A_5, %add3A_17 : i32
    %dma_start3A_19 = arith.constant 0 : i32
    %dma_start3A_20 = arith.constant 3456 : i32
    %dma_start3A_21 = tpu.memref_slice %arg6[%dma_start3A_19, %dma_start3A_20] : memref<2x20096xi32, #tpu.memory_space<vmem>> -> memref<2x3328xi32, #tpu.memory_space<vmem>>
    %dma_start3A_22 = arith.constant 0 : i32
    %dma_start3A_23 = tpu.memref_slice %arg3[%dma_start3A_22, %add3A_18] : memref<2x320000xi32, #tpu.memory_space<hbm>> -> memref<2x3328xi32, #tpu.memory_space<hbm>>
    %dma_start3A_24 = arith.constant 0 : i32
    %dma_start3A_25 = arith.constant 3456 : i32
    %dma_start3A_26 = tpu.memref_slice %arg6[%dma_start3A_24, %dma_start3A_25] : memref<2x20096xi32, #tpu.memory_space<vmem>> -> memref<2x3328xi32, #tpu.memory_space<vmem>>
    %dma_start3A_27 = arith.constant 0 : i32
    %dma_start3A_28 = tpu.memref_slice %arg3[%dma_start3A_27, %add3A_18] : memref<2x320000xi32, #tpu.memory_space<hbm>> -> memref<2x3328xi32, #tpu.memory_space<hbm>>
    tpu.enqueue_dma source(%dma_start3A_28 : memref<2x3328xi32, #tpu.memory_space<hbm>>) target(%dma_start3A_26 : memref<2x3328xi32, #tpu.memory_space<vmem>>) target_semaphore(%arg9 : memref<!tpu.dma_semaphore, #tpu.memory_space<semaphore_mem>>)
    %add3A_29 = arith.constant 6784 : i32
    %add3A_30 = arith.addi %mul3A_5, %add3A_29 : i32
    %dma_start3A_31 = arith.constant 0 : i32
    %dma_start3A_32 = arith.constant 6784 : i32
    %dma_start3A_33 = tpu.memref_slice %arg6[%dma_start3A_31, %dma_start3A_32] : memref<2x20096xi32, #tpu.memory_space<vmem>> -> memref<2x3328xi32, #tpu.memory_space<vmem>>
    %dma_start3A_34 = arith.constant 0 : i32
    %dma_start3A_35 = tpu.memref_slice %arg3[%dma_start3A_34, %add3A_30] : memref<2x320000xi32, #tpu.memory_space<hbm>> -> memref<2x3328xi32, #tpu.memory_space<hbm>>
    %dma_start3A_36 = arith.constant 0 : i32
    %dma_start3A_37 = arith.constant 6784 : i32
    %dma_start3A_38 = tpu.memref_slice %arg6[%dma_start3A_36, %dma_start3A_37] : memref<2x20096xi32, #tpu.memory_space<vmem>> -> memref<2x3328xi32, #tpu.memory_space<vmem>>
    %dma_start3A_39 = arith.constant 0 : i32
    %dma_start3A_40 = tpu.memref_slice %arg3[%dma_start3A_39, %add3A_30] : memref<2x320000xi32, #tpu.memory_space<hbm>> -> memref<2x3328xi32, #tpu.memory_space<hbm>>
    tpu.enqueue_dma source(%dma_start3A_40 : memref<2x3328xi32, #tpu.memory_space<hbm>>) target(%dma_start3A_38 : memref<2x3328xi32, #tpu.memory_space<vmem>>) target_semaphore(%arg9 : memref<!tpu.dma_semaphore, #tpu.memory_space<semaphore_mem>>)
    %add3A_41 = arith.constant 10112 : i32
    %add3A_42 = arith.addi %mul3A_5, %add3A_41 : i32
    %dma_start3A_43 = arith.constant 0 : i32
    %dma_start3A_44 = arith.constant 10112 : i32
    %dma_start3A_45 = tpu.memref_slice %arg6[%dma_start3A_43, %dma_start3A_44] : memref<2x20096xi32, #tpu.memory_space<vmem>> -> memref<2x3328xi32, #tpu.memory_space<vmem>>
    %dma_start3A_46 = arith.constant 0 : i32
    %dma_start3A_47 = tpu.memref_slice %arg3[%dma_start3A_46, %add3A_42] : memref<2x320000xi32, #tpu.memory_space<hbm>> -> memref<2x3328xi32, #tpu.memory_space<hbm>>
    %dma_start3A_48 = arith.constant 0 : i32
    %dma_start3A_49 = arith.constant 10112 : i32
    %dma_start3A_50 = tpu.memref_slice %arg6[%dma_start3A_48, %dma_start3A_49] : memref<2x20096xi32, #tpu.memory_space<vmem>> -> memref<2x3328xi32, #tpu.memory_space<vmem>>
    %dma_start3A_51 = arith.constant 0 : i32
    %dma_start3A_52 = tpu.memref_slice %arg3[%dma_start3A_51, %add3A_42] : memref<2x320000xi32, #tpu.memory_space<hbm>> -> memref<2x3328xi32, #tpu.memory_space<hbm>>
    tpu.enqueue_dma source(%dma_start3A_52 : memref<2x3328xi32, #tpu.memory_space<hbm>>) target(%dma_start3A_50 : memref<2x3328xi32, #tpu.memory_space<vmem>>) target_semaphore(%arg9 : memref<!tpu.dma_semaphore, #tpu.memory_space<semaphore_mem>>)
    %add3A_53 = arith.constant 13440 : i32
    %add3A_54 = arith.addi %mul3A_5, %add3A_53 : i32
    %dma_start3A_55 = arith.constant 0 : i32
    %dma_start3A_56 = arith.constant 13440 : i32
    %dma_start3A_57 = tpu.memref_slice %arg6[%dma_start3A_55, %dma_start3A_56] : memref<2x20096xi32, #tpu.memory_space<vmem>> -> memref<2x3328xi32, #tpu.memory_space<vmem>>
    %dma_start3A_58 = arith.constant 0 : i32
    %dma_start3A_59 = tpu.memref_slice %arg3[%dma_start3A_58, %add3A_54] : memref<2x320000xi32, #tpu.memory_space<hbm>> -> memref<2x3328xi32, #tpu.memory_space<hbm>>
    %dma_start3A_60 = arith.constant 0 : i32
    %dma_start3A_61 = arith.constant 13440 : i32
    %dma_start3A_62 = tpu.memref_slice %arg6[%dma_start3A_60, %dma_start3A_61] : memref<2x20096xi32, #tpu.memory_space<vmem>> -> memref<2x3328xi32, #tpu.memory_space<vmem>>
    %dma_start3A_63 = arith.constant 0 : i32
    %dma_start3A_64 = tpu.memref_slice %arg3[%dma_start3A_63, %add3A_54] : memref<2x320000xi32, #tpu.memory_space<hbm>> -> memref<2x3328xi32, #tpu.memory_space<hbm>>
    tpu.enqueue_dma source(%dma_start3A_64 : memref<2x3328xi32, #tpu.memory_space<hbm>>) target(%dma_start3A_62 : memref<2x3328xi32, #tpu.memory_space<vmem>>) target_semaphore(%arg9 : memref<!tpu.dma_semaphore, #tpu.memory_space<semaphore_mem>>)
    %add3A_65 = arith.constant 16768 : i32
    %add3A_66 = arith.addi %mul3A_5, %add3A_65 : i32
    %dma_start3A_67 = arith.constant 0 : i32
    %dma_start3A_68 = arith.constant 16768 : i32
    %dma_start3A_69 = tpu.memref_slice %arg6[%dma_start3A_67, %dma_start3A_68] : memref<2x20096xi32, #tpu.memory_space<vmem>> -> memref<2x3328xi32, #tpu.memory_space<vmem>>
    %dma_start3A_70 = arith.constant 0 : i32
    %dma_start3A_71 = tpu.memref_slice %arg3[%dma_start3A_70, %add3A_66] : memref<2x320000xi32, #tpu.memory_space<hbm>> -> memref<2x3328xi32, #tpu.memory_space<hbm>>
    %dma_start3A_72 = arith.constant 0 : i32
    %dma_start3A_73 = arith.constant 16768 : i32
    %dma_start3A_74 = tpu.memref_slice %arg6[%dma_start3A_72, %dma_start3A_73] : memref<2x20096xi32, #tpu.memory_space<vmem>> -> memref<2x3328xi32, #tpu.memory_space<vmem>>
    %dma_start3A_75 = arith.constant 0 : i32
    %dma_start3A_76 = tpu.memref_slice %arg3[%dma_start3A_75, %add3A_66] : memref<2x320000xi32, #tpu.memory_space<hbm>> -> memref<2x3328xi32, #tpu.memory_space<hbm>>
    tpu.enqueue_dma source(%dma_start3A_76 : memref<2x3328xi32, #tpu.memory_space<hbm>>) target(%dma_start3A_74 : memref<2x3328xi32, #tpu.memory_space<vmem>>) target_semaphore(%arg9 : memref<!tpu.dma_semaphore, #tpu.memory_space<semaphore_mem>>)
    tpu.wait_dma2 semaphore(%arg8 : memref<!tpu.dma_semaphore, #tpu.memory_space<semaphore_mem>>) src(%arg2 : memref<10000xf32, #tpu.memory_space<hbm>>) dst(%arg5 : memref<10000xf32, #tpu.memory_space<vmem>>)
    %dma_wait3A = arith.constant 0 : i32
    %dma_wait3A_77 = arith.constant 0 : i32
    %dma_wait3A_78 = tpu.memref_slice %arg6[%dma_wait3A, %dma_wait3A_77] : memref<2x20096xi32, #tpu.memory_space<vmem>> -> memref<2x3456xi32, #tpu.memory_space<vmem>>
    %dma_wait3A_79 = arith.constant 0 : i32
    %dma_wait3A_80 = tpu.memref_slice %arg3[%dma_wait3A_79, %add3A_7] : memref<2x320000xi32, #tpu.memory_space<hbm>> -> memref<2x3456xi32, #tpu.memory_space<hbm>>
    %dma_wait3A_81 = arith.constant 0 : i32
    %dma_wait3A_82 = arith.constant 0 : i32
    %dma_wait3A_83 = tpu.memref_slice %arg6[%dma_wait3A_81, %dma_wait3A_82] : memref<2x20096xi32, #tpu.memory_space<vmem>> -> memref<2x3456xi32, #tpu.memory_space<vmem>>
    %dma_wait3A_84 = arith.constant 0 : i32
    %dma_wait3A_85 = tpu.memref_slice %arg3[%dma_wait3A_84, %add3A_7] : memref<2x320000xi32, #tpu.memory_space<hbm>> -> memref<2x3456xi32, #tpu.memory_space<hbm>>
    tpu.wait_dma2 semaphore(%arg9 : memref<!tpu.dma_semaphore, #tpu.memory_space<semaphore_mem>>) src(%dma_wait3A_85 : memref<2x3456xi32, #tpu.memory_space<hbm>>) dst(%dma_wait3A_83 : memref<2x3456xi32, #tpu.memory_space<vmem>>)
    %parallel_loop3A = arith.constant 0 : i32
    %parallel_loop3A_86 = arith.constant 216 : i32
    %parallel_loop3A_87 = arith.constant 1 : i32
    scf.for %parallel_loop3A_237 = %parallel_loop3A to %parallel_loop3A_86 step %parallel_loop3A_87  : i32 {
      %parallel_loop3A_238 = arith.constant 16 : i32
      %parallel_loop3A_239 = arith.muli %parallel_loop3A_237, %parallel_loop3A_238 : i32
      %parallel_loop3A_240 = arith.constant 0 : i32
      %parallel_loop3A_241 = arith.index_cast %parallel_loop3A_240 : i32 to index
      %parallel_loop3A_242 = arith.index_cast %parallel_loop3A_239 : i32 to index
      %parallel_loop3A_243 = tpu.vector_load %arg6[%parallel_loop3A_241, %parallel_loop3A_242] {strides = array<i32>} : memref<2x20096xi32, #tpu.memory_space<vmem>>, vector<16xi32>,
      %parallel_loop3A_244 = tpu.vector_load_idx %arg5[%parallel_loop3A_243] : memref<10000xf32, #tpu.memory_space<vmem>>[vector<16xi32>], vector<16xf32>,
      %parallel_loop3A_245 = arith.constant 16 : i32
      %parallel_loop3A_246 = arith.muli %parallel_loop3A_237, %parallel_loop3A_245 : i32
      %parallel_loop3A_247 = arith.index_cast %parallel_loop3A_246 : i32 to index
      %parallel_loop3A_248 = tpu.vector_load %arg7[%parallel_loop3A_247] {strides = array<i32>} : memref<20096xf32, #tpu.memory_space<vmem>>, vector<16xf32>,
      tpu.vector_store %arg7[%parallel_loop3A_247], %parallel_loop3A_244 {strides = array<i32>} : memref<20096xf32, #tpu.memory_space<vmem>>, vector<16xf32>,
    } {sc.loop_unroll_factor = 8 : i64, sc.parallel_access}
    %add3A_88 = arith.constant 0 : i32
    %add3A_89 = arith.addi %mul3A_5, %add3A_88 : i32
    %dma_start3A_90 = arith.constant 0 : i32
    %dma_start3A_91 = tpu.memref_slice %arg7[%dma_start3A_90] : memref<20096xf32, #tpu.memory_space<vmem>> -> memref<3456xf32, #tpu.memory_space<vmem>>
    %dma_start3A_92 = tpu.memref_slice %arg4[%add3A_89] : memref<320000xf32, #tpu.memory_space<hbm>> -> memref<3456xf32, #tpu.memory_space<hbm>>
    %dma_start3A_93 = tpu.memref_slice %arg4[%add3A_89] : memref<320000xf32, #tpu.memory_space<hbm>> -> memref<3456xf32, #tpu.memory_space<hbm>>
    %dma_start3A_94 = arith.constant 0 : i32
    %dma_start3A_95 = tpu.memref_slice %arg7[%dma_start3A_94] : memref<20096xf32, #tpu.memory_space<vmem>> -> memref<3456xf32, #tpu.memory_space<vmem>>
    tpu.enqueue_dma source(%dma_start3A_95 : memref<3456xf32, #tpu.memory_space<vmem>>) target(%dma_start3A_93 : memref<3456xf32, #tpu.memory_space<hbm>>) target_semaphore(%arg10 : memref<!tpu.dma_semaphore, #tpu.memory_space<semaphore_mem>>)
    %dma_wait3A_96 = arith.constant 0 : i32
    %dma_wait3A_97 = arith.constant 3456 : i32
    %dma_wait3A_98 = tpu.memref_slice %arg6[%dma_wait3A_96, %dma_wait3A_97] : memref<2x20096xi32, #tpu.memory_space<vmem>> -> memref<2x3328xi32, #tpu.memory_space<vmem>>
    %dma_wait3A_99 = arith.constant 0 : i32
    %dma_wait3A_100 = tpu.memref_slice %arg3[%dma_wait3A_99, %add3A_18] : memref<2x320000xi32, #tpu.memory_space<hbm>> -> memref<2x3328xi32, #tpu.memory_space<hbm>>
    %dma_wait3A_101 = arith.constant 0 : i32
    %dma_wait3A_102 = arith.constant 3456 : i32
    %dma_wait3A_103 = tpu.memref_slice %arg6[%dma_wait3A_101, %dma_wait3A_102] : memref<2x20096xi32, #tpu.memory_space<vmem>> -> memref<2x3328xi32, #tpu.memory_space<vmem>>
    %dma_wait3A_104 = arith.constant 0 : i32
    %dma_wait3A_105 = tpu.memref_slice %arg3[%dma_wait3A_104, %add3A_18] : memref<2x320000xi32, #tpu.memory_space<hbm>> -> memref<2x3328xi32, #tpu.memory_space<hbm>>
    tpu.wait_dma2 semaphore(%arg9 : memref<!tpu.dma_semaphore, #tpu.memory_space<semaphore_mem>>) src(%dma_wait3A_105 : memref<2x3328xi32, #tpu.memory_space<hbm>>) dst(%dma_wait3A_103 : memref<2x3328xi32, #tpu.memory_space<vmem>>)
    %parallel_loop3A_106 = arith.constant 216 : i32
    %parallel_loop3A_107 = arith.constant 424 : i32
    %parallel_loop3A_108 = arith.constant 1 : i32
    scf.for %parallel_loop3A_237 = %parallel_loop3A_106 to %parallel_loop3A_107 step %parallel_loop3A_108  : i32 {
      %parallel_loop3A_238 = arith.constant 16 : i32
      %parallel_loop3A_239 = arith.muli %parallel_loop3A_237, %parallel_loop3A_238 : i32
      %parallel_loop3A_240 = arith.constant 0 : i32
      %parallel_loop3A_241 = arith.index_cast %parallel_loop3A_240 : i32 to index
      %parallel_loop3A_242 = arith.index_cast %parallel_loop3A_239 : i32 to index
      %parallel_loop3A_243 = tpu.vector_load %arg6[%parallel_loop3A_241, %parallel_loop3A_242] {strides = array<i32>} : memref<2x20096xi32, #tpu.memory_space<vmem>>, vector<16xi32>,
      %parallel_loop3A_244 = tpu.vector_load_idx %arg5[%parallel_loop3A_243] : memref<10000xf32, #tpu.memory_space<vmem>>[vector<16xi32>], vector<16xf32>,
      %parallel_loop3A_245 = arith.constant 16 : i32
      %parallel_loop3A_246 = arith.muli %parallel_loop3A_237, %parallel_loop3A_245 : i32
      %parallel_loop3A_247 = arith.index_cast %parallel_loop3A_246 : i32 to index
      %parallel_loop3A_248 = tpu.vector_load %arg7[%parallel_loop3A_247] {strides = array<i32>} : memref<20096xf32, #tpu.memory_space<vmem>>, vector<16xf32>,
      tpu.vector_store %arg7[%parallel_loop3A_247], %parallel_loop3A_244 {strides = array<i32>} : memref<20096xf32, #tpu.memory_space<vmem>>, vector<16xf32>,
    } {sc.loop_unroll_factor = 8 : i64, sc.parallel_access}
    %add3A_109 = arith.constant 3456 : i32
    %add3A_110 = arith.addi %mul3A_5, %add3A_109 : i32
    %dma_start3A_111 = arith.constant 3456 : i32
    %dma_start3A_112 = tpu.memref_slice %arg7[%dma_start3A_111] : memref<20096xf32, #tpu.memory_space<vmem>> -> memref<3328xf32, #tpu.memory_space<vmem>>
    %dma_start3A_113 = tpu.memref_slice %arg4[%add3A_110] : memref<320000xf32, #tpu.memory_space<hbm>> -> memref<3328xf32, #tpu.memory_space<hbm>>
    %dma_start3A_114 = tpu.memref_slice %arg4[%add3A_110] : memref<320000xf32, #tpu.memory_space<hbm>> -> memref<3328xf32, #tpu.memory_space<hbm>>
    %dma_start3A_115 = arith.constant 3456 : i32
    %dma_start3A_116 = tpu.memref_slice %arg7[%dma_start3A_115] : memref<20096xf32, #tpu.memory_space<vmem>> -> memref<3328xf32, #tpu.memory_space<vmem>>
    tpu.enqueue_dma source(%dma_start3A_116 : memref<3328xf32, #tpu.memory_space<vmem>>) target(%dma_start3A_114 : memref<3328xf32, #tpu.memory_space<hbm>>) target_semaphore(%arg10 : memref<!tpu.dma_semaphore, #tpu.memory_space<semaphore_mem>>)
    %dma_wait3A_117 = arith.constant 0 : i32
    %dma_wait3A_118 = arith.constant 6784 : i32
    %dma_wait3A_119 = tpu.memref_slice %arg6[%dma_wait3A_117, %dma_wait3A_118] : memref<2x20096xi32, #tpu.memory_space<vmem>> -> memref<2x3328xi32, #tpu.memory_space<vmem>>
    %dma_wait3A_120 = arith.constant 0 : i32
    %dma_wait3A_121 = tpu.memref_slice %arg3[%dma_wait3A_120, %add3A_30] : memref<2x320000xi32, #tpu.memory_space<hbm>> -> memref<2x3328xi32, #tpu.memory_space<hbm>>
    %dma_wait3A_122 = arith.constant 0 : i32
    %dma_wait3A_123 = arith.constant 6784 : i32
    %dma_wait3A_124 = tpu.memref_slice %arg6[%dma_wait3A_122, %dma_wait3A_123] : memref<2x20096xi32, #tpu.memory_space<vmem>> -> memref<2x3328xi32, #tpu.memory_space<vmem>>
    %dma_wait3A_125 = arith.constant 0 : i32
    %dma_wait3A_126 = tpu.memref_slice %arg3[%dma_wait3A_125, %add3A_30] : memref<2x320000xi32, #tpu.memory_space<hbm>> -> memref<2x3328xi32, #tpu.memory_space<hbm>>
    tpu.wait_dma2 semaphore(%arg9 : memref<!tpu.dma_semaphore, #tpu.memory_space<semaphore_mem>>) src(%dma_wait3A_126 : memref<2x3328xi32, #tpu.memory_space<hbm>>) dst(%dma_wait3A_124 : memref<2x3328xi32, #tpu.memory_space<vmem>>)
    %parallel_loop3A_127 = arith.constant 424 : i32
    %parallel_loop3A_128 = arith.constant 632 : i32
    %parallel_loop3A_129 = arith.constant 1 : i32
    scf.for %parallel_loop3A_237 = %parallel_loop3A_127 to %parallel_loop3A_128 step %parallel_loop3A_129  : i32 {
      %parallel_loop3A_238 = arith.constant 16 : i32
      %parallel_loop3A_239 = arith.muli %parallel_loop3A_237, %parallel_loop3A_238 : i32
      %parallel_loop3A_240 = arith.constant 0 : i32
      %parallel_loop3A_241 = arith.index_cast %parallel_loop3A_240 : i32 to index
      %parallel_loop3A_242 = arith.index_cast %parallel_loop3A_239 : i32 to index
      %parallel_loop3A_243 = tpu.vector_load %arg6[%parallel_loop3A_241, %parallel_loop3A_242] {strides = array<i32>} : memref<2x20096xi32, #tpu.memory_space<vmem>>, vector<16xi32>,
      %parallel_loop3A_244 = tpu.vector_load_idx %arg5[%parallel_loop3A_243] : memref<10000xf32, #tpu.memory_space<vmem>>[vector<16xi32>], vector<16xf32>,
      %parallel_loop3A_245 = arith.constant 16 : i32
      %parallel_loop3A_246 = arith.muli %parallel_loop3A_237, %parallel_loop3A_245 : i32
      %parallel_loop3A_247 = arith.index_cast %parallel_loop3A_246 : i32 to index
      %parallel_loop3A_248 = tpu.vector_load %arg7[%parallel_loop3A_247] {strides = array<i32>} : memref<20096xf32, #tpu.memory_space<vmem>>, vector<16xf32>,
      tpu.vector_store %arg7[%parallel_loop3A_247], %parallel_loop3A_244 {strides = array<i32>} : memref<20096xf32, #tpu.memory_space<vmem>>, vector<16xf32>,
    } {sc.loop_unroll_factor = 8 : i64, sc.parallel_access}
    %add3A_130 = arith.constant 6784 : i32
    %add3A_131 = arith.addi %mul3A_5, %add3A_130 : i32
    %dma_start3A_132 = arith.constant 6784 : i32
    %dma_start3A_133 = tpu.memref_slice %arg7[%dma_start3A_132] : memref<20096xf32, #tpu.memory_space<vmem>> -> memref<3328xf32, #tpu.memory_space<vmem>>
    %dma_start3A_134 = tpu.memref_slice %arg4[%add3A_131] : memref<320000xf32, #tpu.memory_space<hbm>> -> memref<3328xf32, #tpu.memory_space<hbm>>
    %dma_start3A_135 = tpu.memref_slice %arg4[%add3A_131] : memref<320000xf32, #tpu.memory_space<hbm>> -> memref<3328xf32, #tpu.memory_space<hbm>>
    %dma_start3A_136 = arith.constant 6784 : i32
    %dma_start3A_137 = tpu.memref_slice %arg7[%dma_start3A_136] : memref<20096xf32, #tpu.memory_space<vmem>> -> memref<3328xf32, #tpu.memory_space<vmem>>
    tpu.enqueue_dma source(%dma_start3A_137 : memref<3328xf32, #tpu.memory_space<vmem>>) target(%dma_start3A_135 : memref<3328xf32, #tpu.memory_space<hbm>>) target_semaphore(%arg10 : memref<!tpu.dma_semaphore, #tpu.memory_space<semaphore_mem>>)
    %dma_wait3A_138 = arith.constant 0 : i32
    %dma_wait3A_139 = arith.constant 10112 : i32
    %dma_wait3A_140 = tpu.memref_slice %arg6[%dma_wait3A_138, %dma_wait3A_139] : memref<2x20096xi32, #tpu.memory_space<vmem>> -> memref<2x3328xi32, #tpu.memory_space<vmem>>
    %dma_wait3A_141 = arith.constant 0 : i32
    %dma_wait3A_142 = tpu.memref_slice %arg3[%dma_wait3A_141, %add3A_42] : memref<2x320000xi32, #tpu.memory_space<hbm>> -> memref<2x3328xi32, #tpu.memory_space<hbm>>
    %dma_wait3A_143 = arith.constant 0 : i32
    %dma_wait3A_144 = arith.constant 10112 : i32
    %dma_wait3A_145 = tpu.memref_slice %arg6[%dma_wait3A_143, %dma_wait3A_144] : memref<2x20096xi32, #tpu.memory_space<vmem>> -> memref<2x3328xi32, #tpu.memory_space<vmem>>
    %dma_wait3A_146 = arith.constant 0 : i32
    %dma_wait3A_147 = tpu.memref_slice %arg3[%dma_wait3A_146, %add3A_42] : memref<2x320000xi32, #tpu.memory_space<hbm>> -> memref<2x3328xi32, #tpu.memory_space<hbm>>
    tpu.wait_dma2 semaphore(%arg9 : memref<!tpu.dma_semaphore, #tpu.memory_space<semaphore_mem>>) src(%dma_wait3A_147 : memref<2x3328xi32, #tpu.memory_space<hbm>>) dst(%dma_wait3A_145 : memref<2x3328xi32, #tpu.memory_space<vmem>>)
    %parallel_loop3A_148 = arith.constant 632 : i32
    %parallel_loop3A_149 = arith.constant 840 : i32
    %parallel_loop3A_150 = arith.constant 1 : i32
    scf.for %parallel_loop3A_237 = %parallel_loop3A_148 to %parallel_loop3A_149 step %parallel_loop3A_150  : i32 {
      %parallel_loop3A_238 = arith.constant 16 : i32
      %parallel_loop3A_239 = arith.muli %parallel_loop3A_237, %parallel_loop3A_238 : i32
      %parallel_loop3A_240 = arith.constant 0 : i32
      %parallel_loop3A_241 = arith.index_cast %parallel_loop3A_240 : i32 to index
      %parallel_loop3A_242 = arith.index_cast %parallel_loop3A_239 : i32 to index
      %parallel_loop3A_243 = tpu.vector_load %arg6[%parallel_loop3A_241, %parallel_loop3A_242] {strides = array<i32>} : memref<2x20096xi32, #tpu.memory_space<vmem>>, vector<16xi32>,
      %parallel_loop3A_244 = tpu.vector_load_idx %arg5[%parallel_loop3A_243] : memref<10000xf32, #tpu.memory_space<vmem>>[vector<16xi32>], vector<16xf32>,
      %parallel_loop3A_245 = arith.constant 16 : i32
      %parallel_loop3A_246 = arith.muli %parallel_loop3A_237, %parallel_loop3A_245 : i32
      %parallel_loop3A_247 = arith.index_cast %parallel_loop3A_246 : i32 to index
      %parallel_loop3A_248 = tpu.vector_load %arg7[%parallel_loop3A_247] {strides = array<i32>} : memref<20096xf32, #tpu.memory_space<vmem>>, vector<16xf32>,
      tpu.vector_store %arg7[%parallel_loop3A_247], %parallel_loop3A_244 {strides = array<i32>} : memref<20096xf32, #tpu.memory_space<vmem>>, vector<16xf32>,
    } {sc.loop_unroll_factor = 8 : i64, sc.parallel_access}
    %add3A_151 = arith.constant 10112 : i32
    %add3A_152 = arith.addi %mul3A_5, %add3A_151 : i32
    %dma_start3A_153 = arith.constant 10112 : i32
    %dma_start3A_154 = tpu.memref_slice %arg7[%dma_start3A_153] : memref<20096xf32, #tpu.memory_space<vmem>> -> memref<3328xf32, #tpu.memory_space<vmem>>
    %dma_start3A_155 = tpu.memref_slice %arg4[%add3A_152] : memref<320000xf32, #tpu.memory_space<hbm>> -> memref<3328xf32, #tpu.memory_space<hbm>>
    %dma_start3A_156 = tpu.memref_slice %arg4[%add3A_152] : memref<320000xf32, #tpu.memory_space<hbm>> -> memref<3328xf32, #tpu.memory_space<hbm>>
    %dma_start3A_157 = arith.constant 10112 : i32
    %dma_start3A_158 = tpu.memref_slice %arg7[%dma_start3A_157] : memref<20096xf32, #tpu.memory_space<vmem>> -> memref<3328xf32, #tpu.memory_space<vmem>>
    tpu.enqueue_dma source(%dma_start3A_158 : memref<3328xf32, #tpu.memory_space<vmem>>) target(%dma_start3A_156 : memref<3328xf32, #tpu.memory_space<hbm>>) target_semaphore(%arg10 : memref<!tpu.dma_semaphore, #tpu.memory_space<semaphore_mem>>)
    %dma_wait3A_159 = arith.constant 0 : i32
    %dma_wait3A_160 = arith.constant 13440 : i32
    %dma_wait3A_161 = tpu.memref_slice %arg6[%dma_wait3A_159, %dma_wait3A_160] : memref<2x20096xi32, #tpu.memory_space<vmem>> -> memref<2x3328xi32, #tpu.memory_space<vmem>>
    %dma_wait3A_162 = arith.constant 0 : i32
    %dma_wait3A_163 = tpu.memref_slice %arg3[%dma_wait3A_162, %add3A_54] : memref<2x320000xi32, #tpu.memory_space<hbm>> -> memref<2x3328xi32, #tpu.memory_space<hbm>>
    %dma_wait3A_164 = arith.constant 0 : i32
    %dma_wait3A_165 = arith.constant 13440 : i32
    %dma_wait3A_166 = tpu.memref_slice %arg6[%dma_wait3A_164, %dma_wait3A_165] : memref<2x20096xi32, #tpu.memory_space<vmem>> -> memref<2x3328xi32, #tpu.memory_space<vmem>>
    %dma_wait3A_167 = arith.constant 0 : i32
    %dma_wait3A_168 = tpu.memref_slice %arg3[%dma_wait3A_167, %add3A_54] : memref<2x320000xi32, #tpu.memory_space<hbm>> -> memref<2x3328xi32, #tpu.memory_space<hbm>>
    tpu.wait_dma2 semaphore(%arg9 : memref<!tpu.dma_semaphore, #tpu.memory_space<semaphore_mem>>) src(%dma_wait3A_168 : memref<2x3328xi32, #tpu.memory_space<hbm>>) dst(%dma_wait3A_166 : memref<2x3328xi32, #tpu.memory_space<vmem>>)
    %parallel_loop3A_169 = arith.constant 840 : i32
    %parallel_loop3A_170 = arith.constant 1048 : i32
    %parallel_loop3A_171 = arith.constant 1 : i32
    scf.for %parallel_loop3A_237 = %parallel_loop3A_169 to %parallel_loop3A_170 step %parallel_loop3A_171  : i32 {
      %parallel_loop3A_238 = arith.constant 16 : i32
      %parallel_loop3A_239 = arith.muli %parallel_loop3A_237, %parallel_loop3A_238 : i32
      %parallel_loop3A_240 = arith.constant 0 : i32
      %parallel_loop3A_241 = arith.index_cast %parallel_loop3A_240 : i32 to index
      %parallel_loop3A_242 = arith.index_cast %parallel_loop3A_239 : i32 to index
      %parallel_loop3A_243 = tpu.vector_load %arg6[%parallel_loop3A_241, %parallel_loop3A_242] {strides = array<i32>} : memref<2x20096xi32, #tpu.memory_space<vmem>>, vector<16xi32>,
      %parallel_loop3A_244 = tpu.vector_load_idx %arg5[%parallel_loop3A_243] : memref<10000xf32, #tpu.memory_space<vmem>>[vector<16xi32>], vector<16xf32>,
      %parallel_loop3A_245 = arith.constant 16 : i32
      %parallel_loop3A_246 = arith.muli %parallel_loop3A_237, %parallel_loop3A_245 : i32
      %parallel_loop3A_247 = arith.index_cast %parallel_loop3A_246 : i32 to index
      %parallel_loop3A_248 = tpu.vector_load %arg7[%parallel_loop3A_247] {strides = array<i32>} : memref<20096xf32, #tpu.memory_space<vmem>>, vector<16xf32>,
      tpu.vector_store %arg7[%parallel_loop3A_247], %parallel_loop3A_244 {strides = array<i32>} : memref<20096xf32, #tpu.memory_space<vmem>>, vector<16xf32>,
    } {sc.loop_unroll_factor = 8 : i64, sc.parallel_access}
    %add3A_172 = arith.constant 13440 : i32
    %add3A_173 = arith.addi %mul3A_5, %add3A_172 : i32
    %dma_start3A_174 = arith.constant 13440 : i32
    %dma_start3A_175 = tpu.memref_slice %arg7[%dma_start3A_174] : memref<20096xf32, #tpu.memory_space<vmem>> -> memref<3328xf32, #tpu.memory_space<vmem>>
    %dma_start3A_176 = tpu.memref_slice %arg4[%add3A_173] : memref<320000xf32, #tpu.memory_space<hbm>> -> memref<3328xf32, #tpu.memory_space<hbm>>
    %dma_start3A_177 = tpu.memref_slice %arg4[%add3A_173] : memref<320000xf32, #tpu.memory_space<hbm>> -> memref<3328xf32, #tpu.memory_space<hbm>>
    %dma_start3A_178 = arith.constant 13440 : i32
    %dma_start3A_179 = tpu.memref_slice %arg7[%dma_start3A_178] : memref<20096xf32, #tpu.memory_space<vmem>> -> memref<3328xf32, #tpu.memory_space<vmem>>
    tpu.enqueue_dma source(%dma_start3A_179 : memref<3328xf32, #tpu.memory_space<vmem>>) target(%dma_start3A_177 : memref<3328xf32, #tpu.memory_space<hbm>>) target_semaphore(%arg10 : memref<!tpu.dma_semaphore, #tpu.memory_space<semaphore_mem>>)
    %dma_wait3A_180 = arith.constant 0 : i32
    %dma_wait3A_181 = arith.constant 16768 : i32
    %dma_wait3A_182 = tpu.memref_slice %arg6[%dma_wait3A_180, %dma_wait3A_181] : memref<2x20096xi32, #tpu.memory_space<vmem>> -> memref<2x3328xi32, #tpu.memory_space<vmem>>
    %dma_wait3A_183 = arith.constant 0 : i32
    %dma_wait3A_184 = tpu.memref_slice %arg3[%dma_wait3A_183, %add3A_66] : memref<2x320000xi32, #tpu.memory_space<hbm>> -> memref<2x3328xi32, #tpu.memory_space<hbm>>
    %dma_wait3A_185 = arith.constant 0 : i32
    %dma_wait3A_186 = arith.constant 16768 : i32
    %dma_wait3A_187 = tpu.memref_slice %arg6[%dma_wait3A_185, %dma_wait3A_186] : memref<2x20096xi32, #tpu.memory_space<vmem>> -> memref<2x3328xi32, #tpu.memory_space<vmem>>
    %dma_wait3A_188 = arith.constant 0 : i32
    %dma_wait3A_189 = tpu.memref_slice %arg3[%dma_wait3A_188, %add3A_66] : memref<2x320000xi32, #tpu.memory_space<hbm>> -> memref<2x3328xi32, #tpu.memory_space<hbm>>
    tpu.wait_dma2 semaphore(%arg9 : memref<!tpu.dma_semaphore, #tpu.memory_space<semaphore_mem>>) src(%dma_wait3A_189 : memref<2x3328xi32, #tpu.memory_space<hbm>>) dst(%dma_wait3A_187 : memref<2x3328xi32, #tpu.memory_space<vmem>>)
    %parallel_loop3A_190 = arith.constant 1048 : i32
    %parallel_loop3A_191 = arith.constant 1256 : i32
    %parallel_loop3A_192 = arith.constant 1 : i32
    scf.for %parallel_loop3A_237 = %parallel_loop3A_190 to %parallel_loop3A_191 step %parallel_loop3A_192  : i32 {
      %parallel_loop3A_238 = arith.constant 16 : i32
      %parallel_loop3A_239 = arith.muli %parallel_loop3A_237, %parallel_loop3A_238 : i32
      %parallel_loop3A_240 = arith.constant 0 : i32
      %parallel_loop3A_241 = arith.index_cast %parallel_loop3A_240 : i32 to index
      %parallel_loop3A_242 = arith.index_cast %parallel_loop3A_239 : i32 to index
      %parallel_loop3A_243 = tpu.vector_load %arg6[%parallel_loop3A_241, %parallel_loop3A_242] {strides = array<i32>} : memref<2x20096xi32, #tpu.memory_space<vmem>>, vector<16xi32>,
      %parallel_loop3A_244 = tpu.vector_load_idx %arg5[%parallel_loop3A_243] : memref<10000xf32, #tpu.memory_space<vmem>>[vector<16xi32>], vector<16xf32>,
      %parallel_loop3A_245 = arith.constant 16 : i32
      %parallel_loop3A_246 = arith.muli %parallel_loop3A_237, %parallel_loop3A_245 : i32
      %parallel_loop3A_247 = arith.index_cast %parallel_loop3A_246 : i32 to index
      %parallel_loop3A_248 = tpu.vector_load %arg7[%parallel_loop3A_247] {strides = array<i32>} : memref<20096xf32, #tpu.memory_space<vmem>>, vector<16xf32>,
      tpu.vector_store %arg7[%parallel_loop3A_247], %parallel_loop3A_244 {strides = array<i32>} : memref<20096xf32, #tpu.memory_space<vmem>>, vector<16xf32>,
    } {sc.loop_unroll_factor = 8 : i64, sc.parallel_access}
    %add3A_193 = arith.constant 16768 : i32
    %add3A_194 = arith.addi %mul3A_5, %add3A_193 : i32
    %dma_start3A_195 = arith.constant 16768 : i32
    %dma_start3A_196 = tpu.memref_slice %arg7[%dma_start3A_195] : memref<20096xf32, #tpu.memory_space<vmem>> -> memref<3328xf32, #tpu.memory_space<vmem>>
    %dma_start3A_197 = tpu.memref_slice %arg4[%add3A_194] : memref<320000xf32, #tpu.memory_space<hbm>> -> memref<3328xf32, #tpu.memory_space<hbm>>
    %dma_start3A_198 = tpu.memref_slice %arg4[%add3A_194] : memref<320000xf32, #tpu.memory_space<hbm>> -> memref<3328xf32, #tpu.memory_space<hbm>>
    %dma_start3A_199 = arith.constant 16768 : i32
    %dma_start3A_200 = tpu.memref_slice %arg7[%dma_start3A_199] : memref<20096xf32, #tpu.memory_space<vmem>> -> memref<3328xf32, #tpu.memory_space<vmem>>
    tpu.enqueue_dma source(%dma_start3A_200 : memref<3328xf32, #tpu.memory_space<vmem>>) target(%dma_start3A_198 : memref<3328xf32, #tpu.memory_space<hbm>>) target_semaphore(%arg10 : memref<!tpu.dma_semaphore, #tpu.memory_space<semaphore_mem>>)
    %dma_wait3A_201 = arith.constant 0 : i32
    %dma_wait3A_202 = tpu.memref_slice %arg7[%dma_wait3A_201] : memref<20096xf32, #tpu.memory_space<vmem>> -> memref<3456xf32, #tpu.memory_space<vmem>>
    %dma_wait3A_203 = tpu.memref_slice %arg4[%add3A_89] : memref<320000xf32, #tpu.memory_space<hbm>> -> memref<3456xf32, #tpu.memory_space<hbm>>
    %dma_wait3A_204 = tpu.memref_slice %arg4[%add3A_89] : memref<320000xf32, #tpu.memory_space<hbm>> -> memref<3456xf32, #tpu.memory_space<hbm>>
    %dma_wait3A_205 = arith.constant 0 : i32
    %dma_wait3A_206 = tpu.memref_slice %arg7[%dma_wait3A_205] : memref<20096xf32, #tpu.memory_space<vmem>> -> memref<3456xf32, #tpu.memory_space<vmem>>
    tpu.wait_dma2 semaphore(%arg10 : memref<!tpu.dma_semaphore, #tpu.memory_space<semaphore_mem>>) src(%dma_wait3A_206 : memref<3456xf32, #tpu.memory_space<vmem>>) dst(%dma_wait3A_204 : memref<3456xf32, #tpu.memory_space<hbm>>)
    %dma_wait3A_207 = arith.constant 3456 : i32
    %dma_wait3A_208 = tpu.memref_slice %arg7[%dma_wait3A_207] : memref<20096xf32, #tpu.memory_space<vmem>> -> memref<3328xf32, #tpu.memory_space<vmem>>
    %dma_wait3A_209 = tpu.memref_slice %arg4[%add3A_110] : memref<320000xf32, #tpu.memory_space<hbm>> -> memref<3328xf32, #tpu.memory_space<hbm>>
    %dma_wait3A_210 = tpu.memref_slice %arg4[%add3A_110] : memref<320000xf32, #tpu.memory_space<hbm>> -> memref<3328xf32, #tpu.memory_space<hbm>>
    %dma_wait3A_211 = arith.constant 3456 : i32
    %dma_wait3A_212 = tpu.memref_slice %arg7[%dma_wait3A_211] : memref<20096xf32, #tpu.memory_space<vmem>> -> memref<3328xf32, #tpu.memory_space<vmem>>
    tpu.wait_dma2 semaphore(%arg10 : memref<!tpu.dma_semaphore, #tpu.memory_space<semaphore_mem>>) src(%dma_wait3A_212 : memref<3328xf32, #tpu.memory_space<vmem>>) dst(%dma_wait3A_210 : memref<3328xf32, #tpu.memory_space<hbm>>)
    %dma_wait3A_213 = arith.constant 6784 : i32
    %dma_wait3A_214 = tpu.memref_slice %arg7[%dma_wait3A_213] : memref<20096xf32, #tpu.memory_space<vmem>> -> memref<3328xf32, #tpu.memory_space<vmem>>
    %dma_wait3A_215 = tpu.memref_slice %arg4[%add3A_131] : memref<320000xf32, #tpu.memory_space<hbm>> -> memref<3328xf32, #tpu.memory_space<hbm>>
    %dma_wait3A_216 = tpu.memref_slice %arg4[%add3A_131] : memref<320000xf32, #tpu.memory_space<hbm>> -> memref<3328xf32, #tpu.memory_space<hbm>>
    %dma_wait3A_217 = arith.constant 6784 : i32
    %dma_wait3A_218 = tpu.memref_slice %arg7[%dma_wait3A_217] : memref<20096xf32, #tpu.memory_space<vmem>> -> memref<3328xf32, #tpu.memory_space<vmem>>
    tpu.wait_dma2 semaphore(%arg10 : memref<!tpu.dma_semaphore, #tpu.memory_space<semaphore_mem>>) src(%dma_wait3A_218 : memref<3328xf32, #tpu.memory_space<vmem>>) dst(%dma_wait3A_216 : memref<3328xf32, #tpu.memory_space<hbm>>)
    %dma_wait3A_219 = arith.constant 10112 : i32
    %dma_wait3A_220 = tpu.memref_slice %arg7[%dma_wait3A_219] : memref<20096xf32, #tpu.memory_space<vmem>> -> memref<3328xf32, #tpu.memory_space<vmem>>
    %dma_wait3A_221 = tpu.memref_slice %arg4[%add3A_152] : memref<320000xf32, #tpu.memory_space<hbm>> -> memref<3328xf32, #tpu.memory_space<hbm>>
    %dma_wait3A_222 = tpu.memref_slice %arg4[%add3A_152] : memref<320000xf32, #tpu.memory_space<hbm>> -> memref<3328xf32, #tpu.memory_space<hbm>>
    %dma_wait3A_223 = arith.constant 10112 : i32
    %dma_wait3A_224 = tpu.memref_slice %arg7[%dma_wait3A_223] : memref<20096xf32, #tpu.memory_space<vmem>> -> memref<3328xf32, #tpu.memory_space<vmem>>
    tpu.wait_dma2 semaphore(%arg10 : memref<!tpu.dma_semaphore, #tpu.memory_space<semaphore_mem>>) src(%dma_wait3A_224 : memref<3328xf32, #tpu.memory_space<vmem>>) dst(%dma_wait3A_222 : memref<3328xf32, #tpu.memory_space<hbm>>)
    %dma_wait3A_225 = arith.constant 13440 : i32
    %dma_wait3A_226 = tpu.memref_slice %arg7[%dma_wait3A_225] : memref<20096xf32, #tpu.memory_space<vmem>> -> memref<3328xf32, #tpu.memory_space<vmem>>
    %dma_wait3A_227 = tpu.memref_slice %arg4[%add3A_173] : memref<320000xf32, #tpu.memory_space<hbm>> -> memref<3328xf32, #tpu.memory_space<hbm>>
    %dma_wait3A_228 = tpu.memref_slice %arg4[%add3A_173] : memref<320000xf32, #tpu.memory_space<hbm>> -> memref<3328xf32, #tpu.memory_space<hbm>>
    %dma_wait3A_229 = arith.constant 13440 : i32
    %dma_wait3A_230 = tpu.memref_slice %arg7[%dma_wait3A_229] : memref<20096xf32, #tpu.memory_space<vmem>> -> memref<3328xf32, #tpu.memory_space<vmem>>
    tpu.wait_dma2 semaphore(%arg10 : memref<!tpu.dma_semaphore, #tpu.memory_space<semaphore_mem>>) src(%dma_wait3A_230 : memref<3328xf32, #tpu.memory_space<vmem>>) dst(%dma_wait3A_228 : memref<3328xf32, #tpu.memory_space<hbm>>)
    %dma_wait3A_231 = arith.constant 16768 : i32
    %dma_wait3A_232 = tpu.memref_slice %arg7[%dma_wait3A_231] : memref<20096xf32, #tpu.memory_space<vmem>> -> memref<3328xf32, #tpu.memory_space<vmem>>
    %dma_wait3A_233 = tpu.memref_slice %arg4[%add3A_194] : memref<320000xf32, #tpu.memory_space<hbm>> -> memref<3328xf32, #tpu.memory_space<hbm>>
    %dma_wait3A_234 = tpu.memref_slice %arg4[%add3A_194] : memref<320000xf32, #tpu.memory_space<hbm>> -> memref<3328xf32, #tpu.memory_space<hbm>>
    %dma_wait3A_235 = arith.constant 16768 : i32
    %dma_wait3A_236 = tpu.memref_slice %arg7[%dma_wait3A_235] : memref<20096xf32, #tpu.memory_space<vmem>> -> memref<3328xf32, #tpu.memory_space<vmem>>
    tpu.wait_dma2 semaphore(%arg10 : memref<!tpu.dma_semaphore, #tpu.memory_space<semaphore_mem>>) src(%dma_wait3A_236 : memref<3328xf32, #tpu.memory_space<vmem>>) dst(%dma_wait3A_234 : memref<3328xf32, #tpu.memory_space<hbm>>)
    return
  }
}

module attributes {stable_mosaic.version = 14 : i64} {
  func.func @_rowsum_body(%arg0: memref<10000x128xf32, #tpu.memory_space<vmem>>, %arg1: memref<10000xf32, #tpu.memory_space<vmem>>) attributes {dimension_semantics = [], scalar_prefetch = 0 : i64, scratch_operands = 0 : i64, tpu.core_type = #tpu.core_type<tc>} {
    %get3A = arith.constant 0 : index
    %get3A_0 = arith.constant 0 : index
    %get3A_1 = vector.load %arg0[%get3A, %get3A_0] : memref<10000x128xf32, #tpu.memory_space<vmem>>, vector<10000x128xf32>
    %reduce_sum3A = arith.constant dense<0.000000e+00> : vector<10000xf32>
    %reduce_sum3A_2 = vector.multi_reduction <add>, %get3A_1, %reduce_sum3A [1] : vector<10000x128xf32> to vector<10000xf32>
    %swap3A = arith.constant 0 : index
    %swap3A_3 = vector.load %arg1[%swap3A] : memref<10000xf32, #tpu.memory_space<vmem>>, vector<10000xf32>
    tpu.vector_store %arg1[%swap3A], %reduce_sum3A_2 {strides = array<i32>} : memref<10000xf32, #tpu.memory_space<vmem>>, vector<10000xf32>,
    return
  }
}

</mosaic_0001>

<sc_bundles>
// kernel: kernel.4.cloned.1.call-start
scs
__scs_entry_jumppad:
0x0: {  	(pc) =	sbr.rel $0x88, $3  }
0x1: {  	(tag) =	ssettag $0x0;
	lr =	simm.s32 $0x1  }
0x2: {  	[smem:$0x3F9F] =	sst lr;
	_ =	strace $0xD0000000  }
0x3: {  	_ = 	snop  }
0x4: {  	_ = 	snop  }
0x5: {  	_ = 	snop  }
0x6: {  	_ = 	snop  }
0x7: {  	_ = 	snop  }
__scs_overlays_trampoline_lowered:
0x8: {  	[smem:$0x3FAE] =	sst s0  }
0x9: {  	[smem:$0x3FAF] =	sst s1  }
0xa: {  	[smem:$0x3FB0] =	sst s2  }
0xb: {  	[smem:$0x3FB1] =	sst s3  }
0xc: {  	[smem:$0x3FB2] =	sst s4  }
0xd: {  	[smem:$0x3FB3] =	sst s5  }
0xe: {  	[smem:$0x3FB4] =	sst s6  }
0xf: {  	[smem:$0x3FB5] =	sst s7  }
0x10: {  	[smem:$0x3FB6] =	sst s8  }
0x11: {  	[smem:$0x3FB7] =	sst s9;
	s0 =	simm.s32 @!p0 $0x0  }
0x12: {  	s1 =	sld [smem:$0x3F9D];
	s0 =	simm.s32 @p0 $0x1  }
0x13: {  	[smem:$0x3FB8] =	sst s0;
	s0 =	simm.s32 @!p1 $0x0  }
0x14: {  	s2 =	sld [smem:$0x3F9C];
	s0 =	simm.s32 @p1 $0x1  }
0x15: {  	[smem:$0x3FB9] =	sst s0;
	s0 =	simm.s32 @!p2 $0x0  }
0x16: {  	s3 =	sld [smem:$0x3FDB];
	s0 =	simm.s32 @p2 $0x1  }
0x17: {  	s4 =	simm.s32 $0x1BF5;
	[smem:$0x3FBB] =	sst s0  }
0x18: {  	s0 =	sld [smem:$0x3F9E];
	_ =	swait.ge [sflag:s4], $0x0  }
0x19: {  	s7 =	sld [smem:$0x3F9F]  }
0x1a: {  	s8 =	sadd.s32 $0xFFFFE003, lr  }
0x1b: {  	s9 =	sadd.s32 $0xFFFFFEF7, lr;
	s5 =	simm.s32 $0xFFFFFFFF;
	p2 =	slt.u32 s8, $0xFFFFF086  }
0x1c: {  	p1 =	slt.u32 s9, $0xF7A;
	s5 =	simm.s32 @!p2 $0x0  }
0x1d: {  	s5 =	simm.s32 @p1 $0x1;
	p0 =	seq.s32 s7, s2  }
0x1e: {  	s7 =	smul.u32 @!p0 $0xF7A, s2;
	p2 =	seq.s32 @!p0 s5, $0x0  }
0x1f: {  	s9 =	smul.u32 $0xF7A, s1;
	s8 =	simm.s32 @!p0 $0x1BF5;
	p2 =	por !p2, p0  }
0x20: {  	[sflag:s8] =	ssyncset.s32 @!p0 $0xFFFFF086;
	s6 =	sadd.s32 @!p0 s3, s7;
	s7 =	simm.s32 @!p0 $0x108  }
0x21: {  	s3 =	sadd.s32 s3, s9;
	s6 =	sadd.s32 @!p0 $0x88, s6;
	s7 =	simm.s32 @p2 $0x1082  }
0x22: {  	[simem:s7], [sflag:s8] =	dma.local @!p0 [hbm:s6], $0xF7A  }
0x23: {  	s9 =	sor.u32 $0xD0000000, s2;
	s6 =	simm.s32 $0x108;
	_ =	swait.ge @!p0 [sflag:s8], $0x0  }
0x24: {  	s3 =	sadd.s32 $0x88, s3;
	s6 =	simm.s32 @!p1 $0x1082;
	[sflag:s4] =	ssyncset.s32 $0xFFFFF086  }
0x25: {  	[simem:s6], [sflag:s4] =	dma.local [hbm:s3], $0xF7A  }
0x26: {  	[smem:$0x3F9F] =	sst s1;
	(tag) =	ssettag s2;
	_ =	strace s9  }
0x27: {  	s1 =	sld [smem:$0x3FAF]  }
0x28: {  	s2 =	sld [smem:$0x3FB0]  }
0x29: {  	s4 =	sld [smem:$0x3FB2]  }
0x2a: {  	p0 =	seq.s32 s5, $0x0;
	s5 =	sld [smem:$0x3FB3]  }
0x2b: {  	s6 =	sld [smem:$0x3FB4]  }
0x2c: {  	s7 =	sld [smem:$0x3FB5]  }
0x2d: {  	s3 =	simm.s32 $0x108;
	s8 =	sld [smem:$0x3FB6]  }
0x2e: {  	s3 =	simm.s32 @!p0 $0x1082;
	s9 =	sld [smem:$0x3FB7]  }
0x2f: {  	lr =	sadd.s32 s0, s3;
	s0 =	sld [smem:$0x3FAE]  }
0x30: {  	s3 =	sld [smem:$0x3FB1]  }
0x31: {  	[smem:$0x3FBA] =	sst s10  }
0x32: {  	s10 =	sld [smem:$0x3FB8];
	_ =	sdelay $0x3  }
0x33: {  	p0 =	seq.s32 s10, $0x1;
	s10 =	sld [smem:$0x3FBA];
	_ =	sdelay $0x3  }
0x34: {  	[smem:$0x3FBA] =	sst s10  }
0x35: {  	s10 =	sld [smem:$0x3FB9];
	_ =	sdelay $0x3  }
0x36: {  	p1 =	seq.s32 s10, $0x1;
	s10 =	sld [smem:$0x3FBA];
	_ =	sdelay $0x3  }
0x37: {  	[smem:$0x3FBA] =	sst s10  }
0x38: {  	s10 =	sld [smem:$0x3FBB]  }
0x39: {  	_ = 	snop;
	(pc) =	sbr.ind lr, $3  }
0x3a: {  	_ = 	snop  }
0x3b: {  	_ = 	snop  }
0x3c: {  	p2 =	seq.s32 s10, $0x1;
	s10 =	sld [smem:$0x3FBA]  }
0x3d: {  	_ =	shalt  }
0x3e: {  	_ =	shalt  }
0x3f: {  	_ =	shalt  }
0x40: {  	_ =	shalt  }
0x41: {  	_ =	shalt  }
0x42: {  	_ =	shalt  }
0x43: {  	_ =	shalt  }
0x44: {  	_ =	shalt  }
0x45: {  	_ =	shalt  }
0x46: {  	_ =	shalt  }
0x47: {  	_ =	shalt  }
0x48: {  	_ =	shalt  }
0x49: {  	_ =	shalt  }
0x4a: {  	_ =	shalt  }
0x4b: {  	_ =	shalt  }
0x4c: {  	_ =	shalt  }
0x4d: {  	_ =	shalt  }
0x4e: {  	_ =	shalt  }
0x4f: {  	_ =	shalt  }
0x50: {  	_ =	shalt  }
0x51: {  	_ =	shalt  }
0x52: {  	_ =	shalt  }
0x53: {  	_ =	shalt  }
0x54: {  	_ =	shalt  }
0x55: {  	_ =	shalt  }
0x56: {  	_ =	shalt  }
0x57: {  	_ =	shalt  }
0x58: {  	_ =	shalt  }
0x59: {  	_ =	shalt  }
0x5a: {  	_ =	shalt  }
0x5b: {  	_ =	shalt  }
0x5c: {  	_ =	shalt  }
0x5d: {  	_ =	shalt  }
0x5e: {  	_ =	shalt  }
0x5f: {  	_ =	shalt  }
0x60: {  	_ =	shalt  }
0x61: {  	_ =	shalt  }
0x62: {  	_ =	shalt  }
0x63: {  	_ =	shalt  }
0x64: {  	_ =	shalt  }
0x65: {  	_ =	shalt  }
0x66: {  	_ =	shalt  }
0x67: {  	_ =	shalt  }
0x68: {  	_ =	shalt  }
0x69: {  	_ =	shalt  }
0x6a: {  	_ =	shalt  }
0x6b: {  	_ =	shalt  }
0x6c: {  	_ =	shalt  }
0x6d: {  	_ =	shalt  }
0x6e: {  	_ =	shalt  }
0x6f: {  	_ =	shalt  }
0x70: {  	_ =	shalt  }
0x71: {  	_ =	shalt  }
0x72: {  	_ =	shalt  }
0x73: {  	_ =	shalt  }
0x74: {  	_ =	shalt  }
0x75: {  	_ =	shalt  }
0x76: {  	_ =	shalt  }
0x77: {  	_ =	shalt  }
0x78: {  	_ =	shalt  }
0x79: {  	_ =	shalt  }
0x7a: {  	_ =	shalt  }
0x7b: {  	_ =	shalt  }
0x7c: {  	_ =	shalt  }
0x7d: {  	_ =	shalt  }
0x7e: {  	_ =	shalt  }
0x7f: {  	_ =	shalt  }
0x80: {  	_ =	shalt  }
0x81: {  	_ =	shalt  }
0x82: {  	_ =	shalt  }
0x83: {  	_ =	shalt  }
0x84: {  	_ =	shalt  }
0x85: {  	_ =	shalt  }
0x86: {  	_ =	shalt  }
0x87: {  	_ =	shalt  }
.Lfunc_end0:
.L_simem_size_0:
called_computation_lowered:
.L_overlay_start_0:
0x88: {  	s0 =	sld [smem:$0x3FD9]  }
0x89: {  	s1 =	sld [smem:$0x3FFE];
	_ =	sdelay $0x3  }
0x8a: {  	s0 =	sadd.s32 s1, s0  }
0x8b: {  	[smem:$0x3FC6] =	sst s0  }
0x8c: {  	_ = 	snop  }
0x8d: {  	s0 =	sld [smem:$0x3FC8]  }
0x8e: {  	s16 =	sld [smem:$0x3FD0];
	(tm) =	ssettm $0x1  }
0x8f: {  	s2 =	sld [smem:$0x3FFB];
	_ =	sdelay $0x3  }
0x90: {  	_ =	strace s2  }
0x91: {  	s2 =	sld [smem:$0x3FFC];
	_ =	sdelay $0x3  }
0x92: {  	_ =	strace s2  }
0x93: {  	s2 =	sld [smem:$0x3FFD];
	_ =	sdelay $0x3  }
0x94: {  	_ =	strace s2  }
0x95: {  	_ =	strace $0x8FFFFFFF  }
0x96: {  	s17 =	sld [smem:$0x3FDB];
	_ =	sdelay $0x1  }
0x97: {  	s3 =	simm.s32 $_scs_section_size  }
0x98: {  	s4 =	simm.s32 $_size__tile_overlayer_lowered;
	s5 =	simm.s32 $_tile_overlayer_lowered  }
0x99: {  	s20 =	simm.s32 $0x1BFF;
	s19 =	sshll.u32 s5, $0x1;
	s2 =	sadd.s32 s3, s17  }
0x9a: {  	s6 =	simm.s32 $0x0;
	s18 =	sshll.u32 s4, $0x1;
	s4 =	sadd.s32 s19, s2  }
0x9b: {  	[timem:s6], [sflag:s20] =	dma.local [hbm:s4], s18  }
0x9c: {  	_ =	swait.ge [sflag:s20], s18  }
0x9d: {  	s3 =	ssub.s32 $0x0, s18;
	[sflag:s20] =	ssyncset.done $0x0  }
0x9e: {  	[sflag:s20] =	ssyncadd.s32 s3;
	_ =	sdelay $0x1  }
0x9f: {  	s21 =	simm.s32 $0x1B8B  }
0xa0: {  	_ =	swait.ge [sflag:s21], $0x1  }
0xa1: {  	[sflag:s21] =	ssyncset.done $0x0  }
0xa2: {  	s23 =	simm.s32 $0x1B8E;
	s22 =	sld [smem:$0x3FFE];
	[sflag:s21] =	ssyncadd.s32 $0xFFFFFFFF  }
0xa3: {  	s24 =	simm.s32 $execute0_lowered;
	[smem:$0x3FD2] =	sst s23  }
0xa4: {  	s4 =	sshll.u32 s24, $0x1;
	_ =	strace $0x80000046;
	[dreg:$0x1] =	wrdreg $0xFFFFFFFF  }
0xa5: {  	s25 =	simm.s32 $_size_execute0_lowered;
	s2 =	sadd.s32 s2, s4;
	[dreg:$0x0] =	wrdreg $0x0  }
0xa6: {  	s4 =	sshll.u32 s25, $0x1;
	[dreg:$0x2] =	wrdreg s2  }
0xa7: {  	[dreg:$0x3] =	wrdreg s4  }
0xa8: {  	[dreg:$0x4] =	wrdreg $0xC0  }
0xa9: {  	_ =	task [dreg:s6], $0x5FFFF  }
0xaa: {  	[dreg:$0x1] =	wrdreg $0xFFFFFFFF  }
0xab: {  	[dreg:$0x0] =	wrdreg $0x60  }
0xac: {  	[dreg:$0x2] =	wrdreg s22  }
0xad: {  	[dreg:$0x3] =	wrdreg s0  }
0xae: {  	[dreg:$0x4] =	wrdreg s16  }
0xaf: {  	[dreg:$0x5] =	wrdreg $0x9  }
0xb0: {  	_ =	task.clear_ibuf [dreg:s6], $0x6FFFF;
	_ =	strace $0x90000046  }
0xb1: {  	s26 =	simm.s32 $0x9;
	_ =	strace $0x80000048  }
0xb2: {  	_ =	swait.ge [sflag:s26], $0x1  }
0xb3: {  	[sflag:s26] =	ssyncadd.s32 $0xFFFFFFFF  }
0xb4: {  	_ =	strace $0x90000048  }
0xb5: {  	_ =	sfence  }
0xb6: {  	s28 =	sld [smem:$0x0];
	_ =	sdelay $0x1  }
0xb7: {  	s29 =	srdreg.scid  }
0xb8: {  	s30 =	sshll.u32 s29, $0xD;
	s31 =	sshrl.u32 s29, $0x2  }
0xb9: {  	s1 =	sand.u32 $0x1, s29;
	s2 =	sand.u32 $0x4000, s30;
	s0 =	sadd.s32 s31, s28  }
0xba: {  	s1 =	sor.u32 s2, s1;
	s0 =	sshll.u32 s0, $0x11  }
0xbb: {  	s0 =	sor.u32 s0, s1  }
0xbc: {  	s0 =	sadd.s32 $0x8F2B, s0  }
0xbd: {  	[sflag:s0] =	ssyncadd.remote.s32 $0x1  }
0xbe: {  	_ =	sfence.sel $0xFFFF  }
0xbf: {  	[dreg:$0x0] =	wrdreg $0xFFFFFFFF;
	(pc) =	sbr.abs _section_cstart, $3  }
0xc0: {  	[dreg:$0x1] =	wrdreg $0xFFFFFFFF  }
0xc1: {  	_ =	task.clear_ibuf [dreg:s6], $0x2FFFF;
	_ =	strace $0x9FFFFFFF  }
0xc2: {  	(tm) =	ssettm $0x7FFFFFFF  }
0xc3: {  	_ =	shalt  }
tec
execute0_lowered:
.L_overlay_start_1:
0x0: {  	(tag) =	ssettag $0x1  }
0x1: {  	s3 =	rddreg [dreg:$0x0]  }
0x2: {  	s10 =	rddreg [dreg:$0x1]  }
0x3: {  	s0 =	stileid.u32;
	s2 =	rddreg [dreg:$0x2]  }
0x4: {  	s1 =	rddreg [dreg:$0x3];
	s9 =	simm.s32 $0x0;
	s4 =	smul.u32 $0x9D, s0  }
0x5: {  	s13 =	simm.s32 $0x2780;
	[smem:$0x7FF] =	sst s9  }
0x6: {  	s3 =	sadd.s32 $0x800, s3;
	_ =	strace $0x80000047;
	s8 =	smin.u32 s4, $0x927  }
0x7: {  	[tilespmem:s9], [sflag:$0x1] =	stream.linear.gather [hbm4b:s3+s9], $0x2780, $0x38;
	[tilespmem:$0x11300] =	vst v63  }
0x8: {  	s19 =	simm.s32 $0x4280;
	s21 =	simm.s32 $0x5C80;
	s11 =	sshll.u32 s8, $0x7  }
0x9: {  	s23 =	simm.s32 $0x7680;
	s4 =	sshll.u32 s8, $0x5;
	s7 =	sadd.s32 $0xD80, s11  }
0xa: {  	s4 =	sadd.s32 s10, s4;
	s6 =	sadd.s32 $0x1A80, s11;
	s5 =	sshrl.u32 s7, $0x2  }
0xb: {  	[tilespmem:s13], [sflag:$0x2] =	stream.linear.gather [hbm4b:s4+s9], $0x1B00, $0x38;
	[tilespmem:$0x11300] =	vst v63  }
0xc: {  	s17 =	sshrl.u32 s6, $0x2;
	s12 =	sadd.s32 s10, s5;
	s5 =	sadd.s32 $0x2780, s11  }
0xd: {  	[tilespmem:s19], [sflag:$0x2] =	stream.linear.gather [hbm4b:s12+s9], $0x1A00, $0x38;
	[tilespmem:$0x11300] =	vst v63  }
0xe: {  	s4 =	sadd.s32 $0x3480, s11;
	s3 =	sadd.s32 s10, s17;
	s18 =	sshrl.u32 s5, $0x2  }
0xf: {  	[tilespmem:s21], [sflag:$0x2] =	stream.linear.gather [hbm4b:s3+s9], $0x1A00, $0x38;
	[tilespmem:$0x11300] =	vst v63  }
0x10: {  	s22 =	sshrl.u32 s4, $0x2;
	s20 =	sadd.s32 s10, s18;
	s3 =	sadd.s32 $0x4180, s11  }
0x11: {  	[tilespmem:s23], [sflag:$0x2] =	stream.linear.gather [hbm4b:s20+s9], $0x1A00, $0x38;
	[tilespmem:$0x11300] =	vst v63  }
0x12: {  	s26 =	simm.s32 $0x9080;
	s24 =	sadd.s32 s10, s22;
	s25 =	sshrl.u32 s3, $0x2  }
0x13: {  	[tilespmem:s26], [sflag:$0x2] =	stream.linear.gather [hbm4b:s24+s9], $0x1A00, $0x38;
	[tilespmem:$0x11300] =	vst v63  }
0x14: {  	s28 =	simm.s32 $0xAA80;
	s29 =	simm.s32 $0x1;
	s10 =	sadd.s32 s10, s25  }
0x15: {  	[tilespmem:s28], [sflag:$0x2] =	stream.linear.gather [hbm4b:s10+s9], $0x1A00, $0x38;
	[tilespmem:$0x11300] =	vst v63  }
0x16: {  	_ =	swait.ge [sflag:s29], $0x2780  }
0x17: {  	[sflag:s29] =	ssyncset.done $0x0  }
0x18: {  	s30 =	simm.s32 $0x2;
	[sflag:s29] =	ssyncadd.s32 $0xFFFFD880  }
0x19: {  	_ =	swait.ge [sflag:s30], $0x1B00  }
0x1a: {  	[sflag:s30] =	ssyncset.done $0x0  }
0x1b: {  	s31 =	simm.s32 $0x27C0;
	[sflag:s30] =	ssyncadd.s32 $0xFFFFE500  }
0x1c: {  	v0 =	vld [tilespmem:s31+$0x30]  }
0x1d: {  	v1 =	vld [tilespmem:s31+$0xFFFFFFD0]  }
0x1e: {  	v2 =	vld [tilespmem:s31+$0xFFFFFFE0]  }
0x1f: {  	v3 =	vld [tilespmem:s31+$0xFFFFFFF0]  }
0x20: {  	v4 =	vld [tilespmem:s31+$0x0]  }
0x21: {  	v6 =	vld [tilespmem:s31+$0x10]  }
0x22: {  	v7 =	vld [tilespmem:s31+$0x20]  }
0x23: {  	v8 =	vld [tilespmem:s31+$0xFFFFFFC0]  }
0x24: {  	v9 =	vld.idx.msk [tilespmem:v0+s9+$0x0], $0xffff  }
0x25: {  	v10 =	vld.idx.msk [tilespmem:v1+s9+$0x0], $0xffff  }
0x26: {  	v5 =	vld.idx.msk [tilespmem:v2+s9+$0x0], $0xffff  }
0x27: {  	v3 =	vld.idx.msk [tilespmem:v3+s9+$0x0], $0xffff  }
0x28: {  	v0 =	vld.idx.msk [tilespmem:v4+s9+$0x0], $0xffff  }
0x29: {  	s10 =	simm.s32 $0xC4C0;
	v1 =	vld.idx.msk [tilespmem:v6+s9+$0x0], $0xffff  }
0x2a: {  	v2 =	vld.idx.msk [tilespmem:v7+s9+$0x0], $0xffff;
	[tilespmem:s10+$0x30] =	vst v9  }
0x2b: {  	s12 =	simm.s32 $0x28C0;
	s11 =	simm.s32 $0x0;
	v4 =	vld.idx.msk [tilespmem:v8+s9+$0x0], $0xffff;
	[tilespmem:s10+$0xFFFFFFD0] =	vst v10  }
.LBB2_1:
0x2c: {  	v6 =	vld [tilespmem:s12+$0x30];
	s11 =	sadd.s32 $0x8, s11;
	[tilespmem:s10+$0xFFFFFFE0] =	vst v5  }
0x2d: {  	v5 =	vld [tilespmem:s12+$0xFFFFFFD0];
	p0 =	slt.u32 s11, $0xD0;
	[tilespmem:s10+$0xFFFFFFF0] =	vst v3  }
0x2e: {  	v3 =	vld [tilespmem:s12+$0xFFFFFFE0];
	[tilespmem:s10+$0x0] =	vst v0  }
0x2f: {  	v0 =	vld [tilespmem:s12+$0xFFFFFFF0];
	[tilespmem:s10+$0x10] =	vst v1  }
0x30: {  	v1 =	vld [tilespmem:s12+$0x0];
	[tilespmem:s10+$0x20] =	vst v2  }
0x31: {  	v2 =	vld [tilespmem:s12+$0x10];
	[tilespmem:s10+$0xFFFFFFC0] =	vst v4  }
0x32: {  	v4 =	vld [tilespmem:s12+$0x20]  }
0x33: {  	v7 =	vld [tilespmem:s12+$0xFFFFFFC0]  }
0x34: {  	v6 =	vld.idx.msk [tilespmem:v6+s9+$0x0], $0xffff  }
0x35: {  	v8 =	vld.idx.msk [tilespmem:v5+s9+$0x0], $0xffff  }
0x36: {  	v5 =	vld.idx.msk [tilespmem:v3+s9+$0x0], $0xffff  }
.Ltmp0:
0x37: {  	v3 =	vld.idx.msk [tilespmem:v0+s9+$0x0], $0xffff;
	(pc) =	sbr.rel @p0 .LBB2_1-.Ltmp0, $4  }
0x38: {  	v0 =	vld.idx.msk [tilespmem:v1+s9+$0x0], $0xffff  }
0x39: {  	s10 =	sadd.s32 $0x80, s10;
	v1 =	vld.idx.msk [tilespmem:v2+s9+$0x0], $0xffff  }
0x3a: {  	v2 =	vld.idx.msk [tilespmem:v4+s9+$0x0], $0xffff;
	[tilespmem:s10+$0x30] =	vst v6  }
0x3b: {  	s12 =	sadd.s32 $0x100, s12;
	v4 =	vld.idx.msk [tilespmem:v7+s9+$0x0], $0xffff;
	[tilespmem:s10+$0xFFFFFFD0] =	vst v8  }
0x3c: {  	[tilespmem:s10+$0xFFFFFFE0] =	vst v5  }
0x3d: {  	[tilespmem:s10+$0xFFFFFFF0] =	vst v3  }
0x3e: {  	[tilespmem:s10+$0x0] =	vst v0  }
0x3f: {  	[tilespmem:s10+$0x10] =	vst v1  }
0x40: {  	s8 =	sshll.u32 s8, $0x4;
	s29 =	simm.s32 $0xC480;
	[tilespmem:s10+$0x20] =	vst v2  }
0x41: {  	s30 =	simm.s32 $0x2;
	s9 =	sadd.s32 s2, s8;
	s8 =	simm.s32 $0x0;
	[tilespmem:s10+$0xFFFFFFC0] =	vst v4  }
0x42: {  	[hbm4b:s9+s8] =	stream.linear.scatter [tilespmem:s29], [sflag:$0x3], $0xD80, $0x38;
	[tilespmem:$0x11300] =	vst v63  }
0x43: {  	_ =	swait.ge [sflag:s30], $0x1A00  }
0x44: {  	[sflag:s30] =	ssyncset.done $0x0  }
0x45: {  	s31 =	simm.s32 $0x42F0;
	[sflag:s30] =	ssyncadd.s32 $0xFFFFE600  }
0x46: {  	v0 =	vld [tilespmem:s31+$0x0]  }
0x47: {  	v1 =	vld [tilespmem:s31+$0xFFFFFFA0]  }
0x48: {  	v2 =	vld [tilespmem:s31+$0xFFFFFFB0]  }
0x49: {  	v3 =	vld [tilespmem:s31+$0xFFFFFFC0]  }
0x4a: {  	v4 =	vld [tilespmem:s31+$0xFFFFFFD0]  }
0x4b: {  	v6 =	vld [tilespmem:s31+$0xFFFFFFE0]  }
0x4c: {  	v7 =	vld [tilespmem:s31+$0xFFFFFFF0]  }
0x4d: {  	v8 =	vld [tilespmem:s31+$0xFFFFFF90]  }
0x4e: {  	v9 =	vld.idx.msk [tilespmem:v0+s8+$0x0], $0xffff  }
0x4f: {  	v10 =	vld.idx.msk [tilespmem:v1+s8+$0x0], $0xffff  }
0x50: {  	v5 =	vld.idx.msk [tilespmem:v2+s8+$0x0], $0xffff  }
0x51: {  	v3 =	vld.idx.msk [tilespmem:v3+s8+$0x0], $0xffff  }
0x52: {  	v0 =	vld.idx.msk [tilespmem:v4+s8+$0x0], $0xffff  }
0x53: {  	s9 =	simm.s32 $0xD270;
	v1 =	vld.idx.msk [tilespmem:v6+s8+$0x0], $0xffff  }
0x54: {  	v2 =	vld.idx.msk [tilespmem:v7+s8+$0x0], $0xffff;
	[tilespmem:s9+$0x0] =	vst v9  }
0x55: {  	s11 =	simm.s32 $0x43F0;
	s10 =	simm.s32 $0xD8;
	v4 =	vld.idx.msk [tilespmem:v8+s8+$0x0], $0xffff;
	[tilespmem:s9+$0xFFFFFFA0] =	vst v10  }
.LBB2_3:
0x56: {  	v6 =	vld [tilespmem:s11+$0x0];
	s10 =	sadd.s32 $0x8, s10;
	[tilespmem:s9+$0xFFFFFFB0] =	vst v5  }
0x57: {  	v5 =	vld [tilespmem:s11+$0xFFFFFFA0];
	p0 =	slt.u32 s10, $0x1A0;
	[tilespmem:s9+$0xFFFFFFC0] =	vst v3  }
0x58: {  	v3 =	vld [tilespmem:s11+$0xFFFFFFB0];
	[tilespmem:s9+$0xFFFFFFD0] =	vst v0  }
0x59: {  	v0 =	vld [tilespmem:s11+$0xFFFFFFC0];
	[tilespmem:s9+$0xFFFFFFE0] =	vst v1  }
0x5a: {  	v1 =	vld [tilespmem:s11+$0xFFFFFFD0];
	[tilespmem:s9+$0xFFFFFFF0] =	vst v2  }
0x5b: {  	v2 =	vld [tilespmem:s11+$0xFFFFFFE0];
	[tilespmem:s9+$0xFFFFFF90] =	vst v4  }
0x5c: {  	v4 =	vld [tilespmem:s11+$0xFFFFFFF0]  }
0x5d: {  	v7 =	vld [tilespmem:s11+$0xFFFFFF90]  }
0x5e: {  	v6 =	vld.idx.msk [tilespmem:v6+s8+$0x0], $0xffff  }
0x5f: {  	v8 =	vld.idx.msk [tilespmem:v5+s8+$0x0], $0xffff  }
0x60: {  	v5 =	vld.idx.msk [tilespmem:v3+s8+$0x0], $0xffff  }
.Ltmp1:
0x61: {  	v3 =	vld.idx.msk [tilespmem:v0+s8+$0x0], $0xffff;
	(pc) =	sbr.rel @p0 .LBB2_3-.Ltmp1, $4  }
0x62: {  	v0 =	vld.idx.msk [tilespmem:v1+s8+$0x0], $0xffff  }
0x63: {  	s9 =	sadd.s32 $0x80, s9;
	v1 =	vld.idx.msk [tilespmem:v2+s8+$0x0], $0xffff  }
0x64: {  	v2 =	vld.idx.msk [tilespmem:v4+s8+$0x0], $0xffff;
	[tilespmem:s9+$0x0] =	vst v6  }
0x65: {  	s11 =	sadd.s32 $0x100, s11;
	v4 =	vld.idx.msk [tilespmem:v7+s8+$0x0], $0xffff;
	[tilespmem:s9+$0xFFFFFFA0] =	vst v8  }
0x66: {  	[tilespmem:s9+$0xFFFFFFB0] =	vst v5  }
0x67: {  	[tilespmem:s9+$0xFFFFFFC0] =	vst v3  }
0x68: {  	[tilespmem:s9+$0xFFFFFFD0] =	vst v0  }
0x69: {  	[tilespmem:s9+$0xFFFFFFE0] =	vst v1  }
0x6a: {  	s7 =	sshrl.u32 s7, $0x3;
	s29 =	simm.s32 $0xD200;
	[tilespmem:s9+$0xFFFFFFF0] =	vst v2  }
0x6b: {  	s30 =	simm.s32 $0x2;
	s8 =	sadd.s32 s2, s7;
	s7 =	simm.s32 $0x0;
	[tilespmem:s9+$0xFFFFFF90] =	vst v4  }
0x6c: {  	[hbm4b:s8+s7] =	stream.linear.scatter [tilespmem:s29], [sflag:$0x3], $0xD00, $0x38;
	[tilespmem:$0x11300] =	vst v63  }
0x6d: {  	_ =	swait.ge [sflag:s30], $0x1A00  }
0x6e: {  	[sflag:s30] =	ssyncset.done $0x0  }
0x6f: {  	s31 =	simm.s32 $0x5CF0;
	[sflag:s30] =	ssyncadd.s32 $0xFFFFE600  }
0x70: {  	v0 =	vld [tilespmem:s31+$0x0]  }
0x71: {  	v1 =	vld [tilespmem:s31+$0xFFFFFFA0]  }
0x72: {  	v2 =	vld [tilespmem:s31+$0xFFFFFFB0]  }
0x73: {  	v3 =	vld [tilespmem:s31+$0xFFFFFFC0]  }
0x74: {  	v4 =	vld [tilespmem:s31+$0xFFFFFFD0]  }
0x75: {  	v6 =	vld [tilespmem:s31+$0xFFFFFFE0]  }
0x76: {  	v7 =	vld [tilespmem:s31+$0xFFFFFFF0]  }
0x77: {  	v8 =	vld [tilespmem:s31+$0xFFFFFF90]  }
0x78: {  	v9 =	vld.idx.msk [tilespmem:v0+s7+$0x0], $0xffff  }
0x79: {  	v10 =	vld.idx.msk [tilespmem:v1+s7+$0x0], $0xffff  }
0x7a: {  	v5 =	vld.idx.msk [tilespmem:v2+s7+$0x0], $0xffff  }
0x7b: {  	v3 =	vld.idx.msk [tilespmem:v3+s7+$0x0], $0xffff  }
0x7c: {  	v0 =	vld.idx.msk [tilespmem:v4+s7+$0x0], $0xffff  }
0x7d: {  	s8 =	simm.s32 $0xDF70;
	v1 =	vld.idx.msk [tilespmem:v6+s7+$0x0], $0xffff  }
0x7e: {  	v2 =	vld.idx.msk [tilespmem:v7+s7+$0x0], $0xffff;
	[tilespmem:s8+$0x0] =	vst v9  }
0x7f: {  	s10 =	simm.s32 $0x5DF0;
	s9 =	simm.s32 $0x1A8;
	v4 =	vld.idx.msk [tilespmem:v8+s7+$0x0], $0xffff;
	[tilespmem:s8+$0xFFFFFFA0] =	vst v10  }
.LBB2_5:
0x80: {  	v6 =	vld [tilespmem:s10+$0x0];
	s9 =	sadd.s32 $0x8, s9;
	[tilespmem:s8+$0xFFFFFFB0] =	vst v5  }
0x81: {  	v5 =	vld [tilespmem:s10+$0xFFFFFFA0];
	p0 =	slt.u32 s9, $0x270;
	[tilespmem:s8+$0xFFFFFFC0] =	vst v3  }
0x82: {  	v3 =	vld [tilespmem:s10+$0xFFFFFFB0];
	[tilespmem:s8+$0xFFFFFFD0] =	vst v0  }
0x83: {  	v0 =	vld [tilespmem:s10+$0xFFFFFFC0];
	[tilespmem:s8+$0xFFFFFFE0] =	vst v1  }
0x84: {  	v1 =	vld [tilespmem:s10+$0xFFFFFFD0];
	[tilespmem:s8+$0xFFFFFFF0] =	vst v2  }
0x85: {  	v2 =	vld [tilespmem:s10+$0xFFFFFFE0];
	[tilespmem:s8+$0xFFFFFF90] =	vst v4  }
0x86: {  	v4 =	vld [tilespmem:s10+$0xFFFFFFF0]  }
0x87: {  	v7 =	vld [tilespmem:s10+$0xFFFFFF90]  }
0x88: {  	v6 =	vld.idx.msk [tilespmem:v6+s7+$0x0], $0xffff  }
0x89: {  	v8 =	vld.idx.msk [tilespmem:v5+s7+$0x0], $0xffff  }
0x8a: {  	v5 =	vld.idx.msk [tilespmem:v3+s7+$0x0], $0xffff  }
.Ltmp2:
0x8b: {  	v3 =	vld.idx.msk [tilespmem:v0+s7+$0x0], $0xffff;
	(pc) =	sbr.rel @p0 .LBB2_5-.Ltmp2, $4  }
0x8c: {  	v0 =	vld.idx.msk [tilespmem:v1+s7+$0x0], $0xffff  }
0x8d: {  	s8 =	sadd.s32 $0x80, s8;
	v1 =	vld.idx.msk [tilespmem:v2+s7+$0x0], $0xffff  }
0x8e: {  	v2 =	vld.idx.msk [tilespmem:v4+s7+$0x0], $0xffff;
	[tilespmem:s8+$0x0] =	vst v6  }
0x8f: {  	s10 =	sadd.s32 $0x100, s10;
	v4 =	vld.idx.msk [tilespmem:v7+s7+$0x0], $0xffff;
	[tilespmem:s8+$0xFFFFFFA0] =	vst v8  }
0x90: {  	[tilespmem:s8+$0xFFFFFFB0] =	vst v5  }
0x91: {  	[tilespmem:s8+$0xFFFFFFC0] =	vst v3  }
0x92: {  	[tilespmem:s8+$0xFFFFFFD0] =	vst v0  }
0x93: {  	[tilespmem:s8+$0xFFFFFFE0] =	vst v1  }
0x94: {  	s6 =	sshrl.u32 s6, $0x3;
	s29 =	simm.s32 $0xDF00;
	[tilespmem:s8+$0xFFFFFFF0] =	vst v2  }
0x95: {  	s30 =	simm.s32 $0x2;
	s7 =	sadd.s32 s2, s6;
	s6 =	simm.s32 $0x0;
	[tilespmem:s8+$0xFFFFFF90] =	vst v4  }
0x96: {  	[hbm4b:s7+s6] =	stream.linear.scatter [tilespmem:s29], [sflag:$0x3], $0xD00, $0x38;
	[tilespmem:$0x11300] =	vst v63  }
0x97: {  	_ =	swait.ge [sflag:s30], $0x1A00  }
0x98: {  	[sflag:s30] =	ssyncset.done $0x0  }
0x99: {  	s31 =	simm.s32 $0x76F0;
	[sflag:s30] =	ssyncadd.s32 $0xFFFFE600  }
0x9a: {  	v0 =	vld [tilespmem:s31+$0x0]  }
0x9b: {  	v1 =	vld [tilespmem:s31+$0xFFFFFFA0]  }
0x9c: {  	v2 =	vld [tilespmem:s31+$0xFFFFFFB0]  }
0x9d: {  	v3 =	vld [tilespmem:s31+$0xFFFFFFC0]  }
0x9e: {  	v4 =	vld [tilespmem:s31+$0xFFFFFFD0]  }
0x9f: {  	v6 =	vld [tilespmem:s31+$0xFFFFFFE0]  }
0xa0: {  	v7 =	vld [tilespmem:s31+$0xFFFFFFF0]  }
0xa1: {  	v8 =	vld [tilespmem:s31+$0xFFFFFF90]  }
0xa2: {  	v9 =	vld.idx.msk [tilespmem:v0+s6+$0x0], $0xffff  }
0xa3: {  	v10 =	vld.idx.msk [tilespmem:v1+s6+$0x0], $0xffff  }
0xa4: {  	v5 =	vld.idx.msk [tilespmem:v2+s6+$0x0], $0xffff  }
0xa5: {  	v3 =	vld.idx.msk [tilespmem:v3+s6+$0x0], $0xffff  }
0xa6: {  	v0 =	vld.idx.msk [tilespmem:v4+s6+$0x0], $0xffff  }
0xa7: {  	s7 =	simm.s32 $0xEC70;
	v1 =	vld.idx.msk [tilespmem:v6+s6+$0x0], $0xffff  }
0xa8: {  	v2 =	vld.idx.msk [tilespmem:v7+s6+$0x0], $0xffff;
	[tilespmem:s7+$0x0] =	vst v9  }
0xa9: {  	s9 =	simm.s32 $0x77F0;
	s8 =	simm.s32 $0x278;
	v4 =	vld.idx.msk [tilespmem:v8+s6+$0x0], $0xffff;
	[tilespmem:s7+$0xFFFFFFA0] =	vst v10  }
.LBB2_7:
0xaa: {  	v6 =	vld [tilespmem:s9+$0x0];
	s8 =	sadd.s32 $0x8, s8;
	[tilespmem:s7+$0xFFFFFFB0] =	vst v5  }
0xab: {  	v5 =	vld [tilespmem:s9+$0xFFFFFFA0];
	p0 =	slt.u32 s8, $0x340;
	[tilespmem:s7+$0xFFFFFFC0] =	vst v3  }
0xac: {  	v3 =	vld [tilespmem:s9+$0xFFFFFFB0];
	[tilespmem:s7+$0xFFFFFFD0] =	vst v0  }
0xad: {  	v0 =	vld [tilespmem:s9+$0xFFFFFFC0];
	[tilespmem:s7+$0xFFFFFFE0] =	vst v1  }
0xae: {  	v1 =	vld [tilespmem:s9+$0xFFFFFFD0];
	[tilespmem:s7+$0xFFFFFFF0] =	vst v2  }
0xaf: {  	v2 =	vld [tilespmem:s9+$0xFFFFFFE0];
	[tilespmem:s7+$0xFFFFFF90] =	vst v4  }
0xb0: {  	v4 =	vld [tilespmem:s9+$0xFFFFFFF0]  }
0xb1: {  	v7 =	vld [tilespmem:s9+$0xFFFFFF90]  }
0xb2: {  	v6 =	vld.idx.msk [tilespmem:v6+s6+$0x0], $0xffff  }
0xb3: {  	v8 =	vld.idx.msk [tilespmem:v5+s6+$0x0], $0xffff  }
0xb4: {  	v5 =	vld.idx.msk [tilespmem:v3+s6+$0x0], $0xffff  }
.Ltmp3:
0xb5: {  	v3 =	vld.idx.msk [tilespmem:v0+s6+$0x0], $0xffff;
	(pc) =	sbr.rel @p0 .LBB2_7-.Ltmp3, $4  }
0xb6: {  	v0 =	vld.idx.msk [tilespmem:v1+s6+$0x0], $0xffff  }
0xb7: {  	s7 =	sadd.s32 $0x80, s7;
	v1 =	vld.idx.msk [tilespmem:v2+s6+$0x0], $0xffff  }
0xb8: {  	v2 =	vld.idx.msk [tilespmem:v4+s6+$0x0], $0xffff;
	[tilespmem:s7+$0x0] =	vst v6  }
0xb9: {  	s9 =	sadd.s32 $0x100, s9;
	v4 =	vld.idx.msk [tilespmem:v7+s6+$0x0], $0xffff;
	[tilespmem:s7+$0xFFFFFFA0] =	vst v8  }
0xba: {  	[tilespmem:s7+$0xFFFFFFB0] =	vst v5  }
0xbb: {  	[tilespmem:s7+$0xFFFFFFC0] =	vst v3  }
0xbc: {  	[tilespmem:s7+$0xFFFFFFD0] =	vst v0  }
0xbd: {  	[tilespmem:s7+$0xFFFFFFE0] =	vst v1  }
0xbe: {  	s5 =	sshrl.u32 s5, $0x3;
	s29 =	simm.s32 $0xEC00;
	[tilespmem:s7+$0xFFFFFFF0] =	vst v2  }
0xbf: {  	s30 =	simm.s32 $0x2;
	s6 =	sadd.s32 s2, s5;
	s5 =	simm.s32 $0x0;
	[tilespmem:s7+$0xFFFFFF90] =	vst v4  }
0xc0: {  	[hbm4b:s6+s5] =	stream.linear.scatter [tilespmem:s29], [sflag:$0x3], $0xD00, $0x38;
	[tilespmem:$0x11300] =	vst v63  }
0xc1: {  	_ =	swait.ge [sflag:s30], $0x1A00  }
0xc2: {  	[sflag:s30] =	ssyncset.done $0x0  }
0xc3: {  	s31 =	simm.s32 $0x90F0;
	[sflag:s30] =	ssyncadd.s32 $0xFFFFE600  }
0xc4: {  	v0 =	vld [tilespmem:s31+$0x0]  }
0xc5: {  	v1 =	vld [tilespmem:s31+$0xFFFFFFA0]  }
0xc6: {  	v2 =	vld [tilespmem:s31+$0xFFFFFFB0]  }
0xc7: {  	v3 =	vld [tilespmem:s31+$0xFFFFFFC0]  }
0xc8: {  	v4 =	vld [tilespmem:s31+$0xFFFFFFD0]  }
0xc9: {  	v6 =	vld [tilespmem:s31+$0xFFFFFFE0]  }
0xca: {  	v7 =	vld [tilespmem:s31+$0xFFFFFFF0]  }
0xcb: {  	v8 =	vld [tilespmem:s31+$0xFFFFFF90]  }
0xcc: {  	v9 =	vld.idx.msk [tilespmem:v0+s5+$0x0], $0xffff  }
0xcd: {  	v10 =	vld.idx.msk [tilespmem:v1+s5+$0x0], $0xffff  }
0xce: {  	v5 =	vld.idx.msk [tilespmem:v2+s5+$0x0], $0xffff  }
0xcf: {  	v3 =	vld.idx.msk [tilespmem:v3+s5+$0x0], $0xffff  }
0xd0: {  	v0 =	vld.idx.msk [tilespmem:v4+s5+$0x0], $0xffff  }
0xd1: {  	s6 =	simm.s32 $0xF970;
	v1 =	vld.idx.msk [tilespmem:v6+s5+$0x0], $0xffff  }
0xd2: {  	v2 =	vld.idx.msk [tilespmem:v7+s5+$0x0], $0xffff;
	[tilespmem:s6+$0x0] =	vst v9  }
0xd3: {  	s8 =	simm.s32 $0x91F0;
	s7 =	simm.s32 $0x348;
	v4 =	vld.idx.msk [tilespmem:v8+s5+$0x0], $0xffff;
	[tilespmem:s6+$0xFFFFFFA0] =	vst v10  }
.LBB2_9:
0xd4: {  	v6 =	vld [tilespmem:s8+$0x0];
	s7 =	sadd.s32 $0x8, s7;
	[tilespmem:s6+$0xFFFFFFB0] =	vst v5  }
0xd5: {  	v5 =	vld [tilespmem:s8+$0xFFFFFFA0];
	p0 =	slt.u32 s7, $0x410;
	[tilespmem:s6+$0xFFFFFFC0] =	vst v3  }
0xd6: {  	v3 =	vld [tilespmem:s8+$0xFFFFFFB0];
	[tilespmem:s6+$0xFFFFFFD0] =	vst v0  }
0xd7: {  	v0 =	vld [tilespmem:s8+$0xFFFFFFC0];
	[tilespmem:s6+$0xFFFFFFE0] =	vst v1  }
0xd8: {  	v1 =	vld [tilespmem:s8+$0xFFFFFFD0];
	[tilespmem:s6+$0xFFFFFFF0] =	vst v2  }
0xd9: {  	v2 =	vld [tilespmem:s8+$0xFFFFFFE0];
	[tilespmem:s6+$0xFFFFFF90] =	vst v4  }
0xda: {  	v4 =	vld [tilespmem:s8+$0xFFFFFFF0]  }
0xdb: {  	v7 =	vld [tilespmem:s8+$0xFFFFFF90]  }
0xdc: {  	v6 =	vld.idx.msk [tilespmem:v6+s5+$0x0], $0xffff  }
0xdd: {  	v8 =	vld.idx.msk [tilespmem:v5+s5+$0x0], $0xffff  }
0xde: {  	v5 =	vld.idx.msk [tilespmem:v3+s5+$0x0], $0xffff  }
.Ltmp4:
0xdf: {  	v3 =	vld.idx.msk [tilespmem:v0+s5+$0x0], $0xffff;
	(pc) =	sbr.rel @p0 .LBB2_9-.Ltmp4, $4  }
0xe0: {  	v0 =	vld.idx.msk [tilespmem:v1+s5+$0x0], $0xffff  }
0xe1: {  	s6 =	sadd.s32 $0x80, s6;
	v1 =	vld.idx.msk [tilespmem:v2+s5+$0x0], $0xffff  }
0xe2: {  	v2 =	vld.idx.msk [tilespmem:v4+s5+$0x0], $0xffff;
	[tilespmem:s6+$0x0] =	vst v6  }
0xe3: {  	s8 =	sadd.s32 $0x100, s8;
	v4 =	vld.idx.msk [tilespmem:v7+s5+$0x0], $0xffff;
	[tilespmem:s6+$0xFFFFFFA0] =	vst v8  }
0xe4: {  	[tilespmem:s6+$0xFFFFFFB0] =	vst v5  }
0xe5: {  	[tilespmem:s6+$0xFFFFFFC0] =	vst v3  }
0xe6: {  	[tilespmem:s6+$0xFFFFFFD0] =	vst v0  }
0xe7: {  	[tilespmem:s6+$0xFFFFFFE0] =	vst v1  }
0xe8: {  	s4 =	sshrl.u32 s4, $0x3;
	s29 =	simm.s32 $0xF900;
	[tilespmem:s6+$0xFFFFFFF0] =	vst v2  }
0xe9: {  	s30 =	simm.s32 $0x2;
	s5 =	sadd.s32 s2, s4;
	s4 =	simm.s32 $0x0;
	[tilespmem:s6+$0xFFFFFF90] =	vst v4  }
0xea: {  	[hbm4b:s5+s4] =	stream.linear.scatter [tilespmem:s29], [sflag:$0x3], $0xD00, $0x38;
	[tilespmem:$0x11300] =	vst v63  }
0xeb: {  	_ =	swait.ge [sflag:s30], $0x1A00  }
0xec: {  	[sflag:s30] =	ssyncset.done $0x0  }
0xed: {  	s31 =	simm.s32 $0xAAF0;
	[sflag:s30] =	ssyncadd.s32 $0xFFFFE600  }
0xee: {  	v0 =	vld [tilespmem:s31+$0x0]  }
0xef: {  	v1 =	vld [tilespmem:s31+$0xFFFFFFA0]  }
0xf0: {  	v2 =	vld [tilespmem:s31+$0xFFFFFFB0]  }
0xf1: {  	v3 =	vld [tilespmem:s31+$0xFFFFFFC0]  }
0xf2: {  	v4 =	vld [tilespmem:s31+$0xFFFFFFD0]  }
0xf3: {  	v6 =	vld [tilespmem:s31+$0xFFFFFFE0]  }
0xf4: {  	v7 =	vld [tilespmem:s31+$0xFFFFFFF0]  }
0xf5: {  	v8 =	vld [tilespmem:s31+$0xFFFFFF90]  }
0xf6: {  	v9 =	vld.idx.msk [tilespmem:v0+s4+$0x0], $0xffff  }
0xf7: {  	v10 =	vld.idx.msk [tilespmem:v1+s4+$0x0], $0xffff  }
0xf8: {  	v5 =	vld.idx.msk [tilespmem:v2+s4+$0x0], $0xffff  }
0xf9: {  	v3 =	vld.idx.msk [tilespmem:v3+s4+$0x0], $0xffff  }
0xfa: {  	v0 =	vld.idx.msk [tilespmem:v4+s4+$0x0], $0xffff  }
0xfb: {  	s5 =	simm.s32 $0x10670;
	v1 =	vld.idx.msk [tilespmem:v6+s4+$0x0], $0xffff  }
0xfc: {  	v2 =	vld.idx.msk [tilespmem:v7+s4+$0x0], $0xffff;
	[tilespmem:s5+$0x0] =	vst v9  }
0xfd: {  	s7 =	simm.s32 $0xABF0;
	s6 =	simm.s32 $0x418;
	v4 =	vld.idx.msk [tilespmem:v8+s4+$0x0], $0xffff;
	[tilespmem:s5+$0xFFFFFFA0] =	vst v10  }
.LBB2_11:
0xfe: {  	v6 =	vld [tilespmem:s7+$0x0];
	s6 =	sadd.s32 $0x8, s6;
	[tilespmem:s5+$0xFFFFFFB0] =	vst v5  }
0xff: {  	v5 =	vld [tilespmem:s7+$0xFFFFFFA0];
	p0 =	slt.u32 s6, $0x4E0;
	[tilespmem:s5+$0xFFFFFFC0] =	vst v3  }
0x100: {  	v3 =	vld [tilespmem:s7+$0xFFFFFFB0];
	[tilespmem:s5+$0xFFFFFFD0] =	vst v0  }
0x101: {  	v0 =	vld [tilespmem:s7+$0xFFFFFFC0];
	[tilespmem:s5+$0xFFFFFFE0] =	vst v1  }
0x102: {  	v1 =	vld [tilespmem:s7+$0xFFFFFFD0];
	[tilespmem:s5+$0xFFFFFFF0] =	vst v2  }
0x103: {  	v2 =	vld [tilespmem:s7+$0xFFFFFFE0];
	[tilespmem:s5+$0xFFFFFF90] =	vst v4  }
0x104: {  	v4 =	vld [tilespmem:s7+$0xFFFFFFF0]  }
0x105: {  	v7 =	vld [tilespmem:s7+$0xFFFFFF90]  }
0x106: {  	v6 =	vld.idx.msk [tilespmem:v6+s4+$0x0], $0xffff  }
0x107: {  	v8 =	vld.idx.msk [tilespmem:v5+s4+$0x0], $0xffff  }
0x108: {  	v5 =	vld.idx.msk [tilespmem:v3+s4+$0x0], $0xffff  }
.Ltmp5:
0x109: {  	v3 =	vld.idx.msk [tilespmem:v0+s4+$0x0], $0xffff;
	(pc) =	sbr.rel @p0 .LBB2_11-.Ltmp5, $4  }
0x10a: {  	v0 =	vld.idx.msk [tilespmem:v1+s4+$0x0], $0xffff  }
0x10b: {  	s5 =	sadd.s32 $0x80, s5;
	v1 =	vld.idx.msk [tilespmem:v2+s4+$0x0], $0xffff  }
0x10c: {  	v2 =	vld.idx.msk [tilespmem:v4+s4+$0x0], $0xffff;
	[tilespmem:s5+$0x0] =	vst v6  }
0x10d: {  	s7 =	sadd.s32 $0x100, s7;
	v4 =	vld.idx.msk [tilespmem:v7+s4+$0x0], $0xffff;
	[tilespmem:s5+$0xFFFFFFA0] =	vst v8  }
0x10e: {  	[tilespmem:s5+$0xFFFFFFB0] =	vst v5  }
0x10f: {  	[tilespmem:s5+$0xFFFFFFC0] =	vst v3  }
0x110: {  	[tilespmem:s5+$0xFFFFFFD0] =	vst v0  }
0x111: {  	[tilespmem:s5+$0xFFFFFFE0] =	vst v1  }
0x112: {  	s3 =	sshrl.u32 s3, $0x3;
	s30 =	simm.s32 $0x0;
	[tilespmem:s5+$0xFFFFFFF0] =	vst v2  }
0x113: {  	s4 =	simm.s32 $0x10600;
	s31 =	simm.s32 $0x3;
	s2 =	sadd.s32 s2, s3;
	[tilespmem:s5+$0xFFFFFF90] =	vst v4  }
0x114: {  	[hbm4b:s2+s30] =	stream.linear.scatter [tilespmem:s4], [sflag:$0x3], $0xD00, $0x38;
	[tilespmem:$0x11300] =	vst v63  }
0x115: {  	_ =	swait.ge [sflag:s31], $0xD80  }
0x116: {  	[sflag:s31] =	ssyncset.done $0x0  }
0x117: {  	[sflag:s31] =	ssyncadd.s32 $0xFFFFF280  }
0x118: {  	_ =	swait.ge [sflag:s31], $0xD00  }
0x119: {  	[sflag:s31] =	ssyncset.done $0x0  }
0x11a: {  	[sflag:s31] =	ssyncadd.s32 $0xFFFFF300  }
0x11b: {  	_ =	swait.ge [sflag:s31], $0xD00  }
0x11c: {  	[sflag:s31] =	ssyncset.done $0x0  }
0x11d: {  	[sflag:s31] =	ssyncadd.s32 $0xFFFFF300  }
0x11e: {  	_ =	swait.ge [sflag:s31], $0xD00  }
0x11f: {  	[sflag:s31] =	ssyncset.done $0x0  }
0x120: {  	[sflag:s31] =	ssyncadd.s32 $0xFFFFF300  }
0x121: {  	_ =	swait.ge [sflag:s31], $0xD00  }
0x122: {  	[sflag:s31] =	ssyncset.done $0x0  }
0x123: {  	[sflag:s31] =	ssyncadd.s32 $0xFFFFF300  }
0x124: {  	_ =	swait.ge [sflag:s31], $0xD00  }
0x125: {  	[sflag:s31] =	ssyncset.done $0x0  }
0x126: {  	[sflag:s31] =	ssyncadd.s32 $0xFFFFF300  }
0x127: {  	_ =	sfence.sel $0x180000  }
0x128: {  	[bflag:$0x0] =	sbarrier.arrive $0xFFFF  }
0x129: {  	p0 =	sne.s32 s0, $0x0;
	_ =	strace $0x90000047  }
0x12a: {  	s0 =	sadd.s32 @!p0 $0x100000, s1;
	[bflag:$0x2] =	sbarrier.arrive $0xFFFF  }
0x12b: {  	[sflag:s0] =	ssyncadd.tile.s32 @!p0 $0x1;
	_ =	shalt  }
.Lfunc_end2:
_tile_overlayer_lowered:
.L_overlay_start_2:
0x12c: {  	(tag) =	ssettag $0x2  }
0x12d: {  	s0 =	rddreg [dreg:$0x0];
	s2 =	stileid.u32  }
0x12e: {  	s1 =	rddreg [dreg:$0x1];
	p0 =	sne.s32 s2, $0x0  }
0x12f: {  	s3 =	rddreg [dreg:$0x2];
	[bflag:$0x3] =	sbarrier.arrive $0xFFFF;
	s2 =	simm.s32 @!p0 $0x1C04  }
0x130: {  	[timem:s3], [sflag:s2] =	dma.local @!p0 [hbm:s0], s1  }
0x131: {  	s0 =	simm.s32 @!p0 $0x4  }
0x132: {  	_ =	swait.ge @!p0 [sflag:s0], s1  }
0x133: {  	s1 =	ssub.s32 @!p0 $0x0, s1;
	[sflag:s0] =	ssyncset.done @!p0 $0x0  }
0x134: {  	[sflag:s0] =	ssyncadd.s32 @!p0 s1  }
0x135: {  	[bflag:$0x3] =	sbarrier.arrive $0xFFFF  }
0x136: {  	_ =	shalt  }

</sc_bundles>
